<compile_context>
chip_gen: v7x
topology: tpu7x:2x2x1
jax: 0.10.2.dev20260603
libtpu: 0.0.44.dev20260713+nightly
codegen_flags: <defaults>
</compile_context>

<pallas_src>
import jax
import jax.numpy as jnp
from jax import lax
from jax.experimental import pallas as pl
import jax.experimental.pallas.tpu as pltpu
from jax.experimental.pallas import tpu_sc as plsc

_WAY = 5
_CPW = 24
_SB = 2


def _sc_body(x_hbm, s_hbm, o_hbm, xb, sb, yb, s_sem, in_sem, out_sem):
    N, c, hw = x_hbm.shape
    G = N // _WAY
    wid = lax.axis_index("s") * 2 + lax.axis_index("c")
    c0 = wid * _CPW
    nvr = (hw + 15) // 16

    def start_in(k, b):
        pltpu.make_async_copy(x_hbm.at[pl.ds(k * _SB, _SB), pl.ds(c0, _CPW)],
                              xb.at[b], in_sem.at[b]).start()

    def wait_in(k, b):
        pltpu.make_async_copy(x_hbm.at[pl.ds(k * _SB, _SB), pl.ds(c0, _CPW)],
                              xb.at[b], in_sem.at[b]).wait()

    def out_copy(k, b, j):
        n0 = k * _SB
        way = n0 // G
        g0 = lax.rem(n0, G)
        return pltpu.make_async_copy(
            yb.at[b],
            o_hbm.at[way, j, pl.ds(g0, _SB), pl.ds(c0, _CPW)],
            out_sem.at[b])

    pltpu.make_async_copy(s_hbm, sb, s_sem).start()
    start_in(0, 0)
    start_in(1, 1)
    pltpu.make_async_copy(s_hbm, sb, s_sem).wait()

    lanes = [jnp.minimum(lax.iota(jnp.int32, 16) + v * 16,
                         hw - 16 + lax.iota(jnp.int32, 16))
             for v in range(nvr)]

    K = N // _SB
    @pl.loop(0, K // 2)
    def _(g2):
        for b in range(2):
            k = g2 * 2 + b
            wait_in(k, b)

            @pl.when(k >= 2)
            def _():
                for j in range(2):
                    out_copy(k - 2, b, j).wait()

            for i in range(_SB):
                n = k * _SB + i

                @pl.loop(0, _CPW)
                def _(r):
                    rv = jnp.full((16,), r, jnp.int32)
                    sv = plsc.load_gather(
                        sb, [jnp.full((16,), n, jnp.int32),
                             jnp.full((16,), c0 + r, jnp.int32)])
                    for v in range(hw // 16):
                        yb[b, i, r, pl.ds(v * 16, 16)] = (
                            xb[b, i, r, pl.ds(v * 16, 16)] * sv)
                    xv = plsc.load_gather(xb.at[b, i], [rv, lanes[nvr - 1]])
                    plsc.store_scatter(yb.at[b, i], [rv, lanes[nvr - 1]],
                                       xv * sv)

            for j in range(2):
                out_copy(k, b, j).start()

            @pl.when(k + 2 < K)
            def _():
                start_in(k + 2, b)

    for b in range(2):
        for j in range(2):
            out_copy(K - 2 + b, b, j).wait()


def kernel(x, s_ca, shuffle_num):
    N, c, h, w = x.shape
    hw = h * w
    G = N // _WAY

    x3 = x.reshape(N, c, hw)
    s2 = s_ca.reshape(N, c)

    sc_kernel = pl.kernel(
        _sc_body,
        out_type=jax.ShapeDtypeStruct((_WAY, 2, G, c, hw), x.dtype),
        mesh=plsc.VectorSubcoreMesh(core_axis_name="c", subcore_axis_name="s"),
        scratch_types=[
            pltpu.VMEM((2, _SB, _CPW, hw), x.dtype),
            pltpu.VMEM((N, c), x.dtype),
            pltpu.VMEM((2, _SB, _CPW, hw), x.dtype),
            pltpu.SemaphoreType.DMA,
            pltpu.SemaphoreType.DMA((2,)),
            pltpu.SemaphoreType.DMA((2,)),
        ],
        compiler_params=pltpu.CompilerParams(use_tc_tiling_on_sc=True,
                                             needs_layout_passes=False),
    )
    out = sc_kernel(x3, s2)
    return out.reshape(2 * N, c, h, w)

# --- scband reference (transcript-rebuilt; emitter-appended) ---
"""Pipeline reference for scband-channel-shuffle-30288109372278 (READ-ONLY COPY).

The authoritative reference and input builder live on the scoring server;
editing this copy changes nothing except your own understanding.
"""

import jax, jax.numpy as jnp
import numpy as np

WAY = 5
SHOT = 16


def setup_inputs(seed: int = 0) -> dict:
    key = jax.random.key(seed)
    k1, k2 = jax.random.split(key)
    x = jax.random.normal(k1, (80, 768, 14, 14), dtype=jnp.float32)
    s_ca = jax.random.uniform(k2, (80, 768, 1, 1), dtype=jnp.float32)
    return {"x": x, "s_ca": s_ca, "shuffle_num": 400}


def reference(x, s_ca, shuffle_num=400):
    N, c, h, w = x.shape
    # top-k over channel attention (computed as in original; note: in the
    # original PyTorch code, the subsequent in-place channel mixing assigns to
    # `.data` of a tensor produced by advanced indexing, which is a fresh copy,
    # so the write never lands in aug_x. Faithful semantics: the channel-mix
    # loop is a no-op and aug_x remains identical to x.)
    _, replace_indexes = jax.lax.top_k(s_ca.reshape(N, c), 400)
    aug_x = x
    aug_x = aug_x + (jnp.asarray(shuffle_num) * 0).astype(aug_x.dtype)
    aug_x = aug_x.reshape(WAY, -1, c, h, w)
    xr = x.reshape(WAY, -1, c, h, w)
    aug_x = jnp.concatenate((xr, aug_x), axis=1)
    s = s_ca.reshape(WAY, -1, c, 1, 1)
    s = jnp.tile(s, (1, 2, 1, 1, 1))
    aug_x = aug_x * s
    aug_x = aug_x.reshape(-1, c, h, w)
    return aug_x

if __name__ == "__main__":
    import jax
    _d = setup_inputs()
    print(jax.jit(kernel)(*tuple(_d.values())))

</pallas_src>

<mosaic_0001>
#map = affine_map<(d0, d1) -> (0, 0, 0)>
#map1 = affine_map<(d0, d1) -> (0, 0)>
#map2 = affine_map<(d0, d1) -> (0, 0, 0, 0, 0)>
module attributes {stable_mosaic.version = 14 : i64} {
  func.func @_sc_body(%arg0: i32, %arg1: i32, %arg2: memref<80x768x196xf32, #tpu.memory_space<hbm>>, %arg3: memref<80x768xf32, #tpu.memory_space<hbm>>, %arg4: memref<5x2x16x768x196xf32, #tpu.memory_space<hbm>>, %arg5: memref<2x2x24x196xf32, #tpu.memory_space<vmem>>, %arg6: memref<80x768xf32, #tpu.memory_space<vmem>>, %arg7: memref<2x2x24x196xf32, #tpu.memory_space<vmem>>, %arg8: memref<!tpu.dma_semaphore, #tpu.memory_space<semaphore_mem>>, %arg9: memref<2x!tpu.dma_semaphore, #tpu.memory_space<semaphore_mem>>, %arg10: memref<2x!tpu.dma_semaphore, #tpu.memory_space<semaphore_mem>>) attributes {dimension_semantics = [#tpu.dimension_semantics<core_parallel>, #tpu.dimension_semantics<subcore_parallel>], iteration_bounds = array<i64: 2, 16>, scalar_prefetch = 0 : i64, scratch_operands = 6 : i64, tpu.core_type = #tpu.core_type<sc_vector_subcore>, window_params = [{transform_indices = #map}, {transform_indices = #map1}, {transform_indices = #map2}]} {
    %mul3A = arith.constant 2 : i32
    %mul3A_0 = arith.muli %arg1, %mul3A : i32
    %add3A = arith.addi %mul3A_0, %arg0 : i32
    %mul3A_1 = arith.constant 24 : i32
    %mul3A_2 = arith.muli %add3A, %mul3A_1 : i32
    tpu.enqueue_dma source(%arg3 : memref<80x768xf32, #tpu.memory_space<hbm>>) target(%arg6 : memref<80x768xf32, #tpu.memory_space<vmem>>) target_semaphore(%arg8 : memref<!tpu.dma_semaphore, #tpu.memory_space<semaphore_mem>>)
    %dma_start3A = arith.constant 0 : i32
    %dma_start3A_3 = arith.constant 0 : i32
    %dma_start3A_4 = arith.constant 0 : i32
    %dma_start3A_5 = arith.constant 0 : i32
    %dma_start3A_6 = arith.constant 0 : i32
    %dma_start3A_7 = tpu.memref_slice %arg5[%dma_start3A, %dma_start3A_4, %dma_start3A_5, %dma_start3A_6] : memref<2x2x24x196xf32, #tpu.memory_space<vmem>> -> memref<1x2x24x196xf32, #tpu.memory_space<vmem>>
    %dma_start3A_8 = tpu.memref_squeeze %dma_start3A_7 : memref<1x2x24x196xf32, #tpu.memory_space<vmem>> -> memref<2x24x196xf32, #tpu.memory_space<vmem>>
    %dma_start3A_9 = arith.constant 0 : i32
    %dma_start3A_10 = arith.constant 0 : i32
    %dma_start3A_11 = tpu.memref_slice %arg2[%dma_start3A_9, %mul3A_2, %dma_start3A_10] : memref<80x768x196xf32, #tpu.memory_space<hbm>> -> memref<2x24x196xf32, #tpu.memory_space<hbm>>
    %dma_start3A_12 = tpu.memref_slice %arg9[%dma_start3A_3] : memref<2x!tpu.dma_semaphore, #tpu.memory_space<semaphore_mem>> -> memref<1x!tpu.dma_semaphore, #tpu.memory_space<semaphore_mem>>
    %dma_start3A_13 = tpu.memref_squeeze %dma_start3A_12 : memref<1x!tpu.dma_semaphore, #tpu.memory_space<semaphore_mem>> -> memref<!tpu.dma_semaphore, #tpu.memory_space<semaphore_mem>>
    %dma_start3A_14 = arith.constant 0 : i32
    %dma_start3A_15 = arith.constant 0 : i32
    %dma_start3A_16 = arith.constant 0 : i32
    %dma_start3A_17 = tpu.memref_slice %arg5[%dma_start3A, %dma_start3A_14, %dma_start3A_15, %dma_start3A_16] : memref<2x2x24x196xf32, #tpu.memory_space<vmem>> -> memref<1x2x24x196xf32, #tpu.memory_space<vmem>>
    %dma_start3A_18 = tpu.memref_squeeze %dma_start3A_17 : memref<1x2x24x196xf32, #tpu.memory_space<vmem>> -> memref<2x24x196xf32, #tpu.memory_space<vmem>>
    %dma_start3A_19 = arith.constant 0 : i32
    %dma_start3A_20 = arith.constant 0 : i32
    %dma_start3A_21 = tpu.memref_slice %arg2[%dma_start3A_19, %mul3A_2, %dma_start3A_20] : memref<80x768x196xf32, #tpu.memory_space<hbm>> -> memref<2x24x196xf32, #tpu.memory_space<hbm>>
    tpu.enqueue_dma source(%dma_start3A_21 : memref<2x24x196xf32, #tpu.memory_space<hbm>>) target(%dma_start3A_18 : memref<2x24x196xf32, #tpu.memory_space<vmem>>) target_semaphore(%dma_start3A_13 : memref<!tpu.dma_semaphore, #tpu.memory_space<semaphore_mem>>)
    %dma_start3A_22 = arith.constant 1 : i32
    %dma_start3A_23 = arith.constant 1 : i32
    %dma_start3A_24 = arith.constant 0 : i32
    %dma_start3A_25 = arith.constant 0 : i32
    %dma_start3A_26 = arith.constant 0 : i32
    %dma_start3A_27 = tpu.memref_slice %arg5[%dma_start3A_22, %dma_start3A_24, %dma_start3A_25, %dma_start3A_26] : memref<2x2x24x196xf32, #tpu.memory_space<vmem>> -> memref<1x2x24x196xf32, #tpu.memory_space<vmem>>
    %dma_start3A_28 = tpu.memref_squeeze %dma_start3A_27 : memref<1x2x24x196xf32, #tpu.memory_space<vmem>> -> memref<2x24x196xf32, #tpu.memory_space<vmem>>
    %dma_start3A_29 = arith.constant 2 : i32
    %dma_start3A_30 = arith.constant 0 : i32
    %dma_start3A_31 = tpu.memref_slice %arg2[%dma_start3A_29, %mul3A_2, %dma_start3A_30] : memref<80x768x196xf32, #tpu.memory_space<hbm>> -> memref<2x24x196xf32, #tpu.memory_space<hbm>>
    %dma_start3A_32 = tpu.memref_slice %arg9[%dma_start3A_23] : memref<2x!tpu.dma_semaphore, #tpu.memory_space<semaphore_mem>> -> memref<1x!tpu.dma_semaphore, #tpu.memory_space<semaphore_mem>>
    %dma_start3A_33 = tpu.memref_squeeze %dma_start3A_32 : memref<1x!tpu.dma_semaphore, #tpu.memory_space<semaphore_mem>> -> memref<!tpu.dma_semaphore, #tpu.memory_space<semaphore_mem>>
    %dma_start3A_34 = arith.constant 0 : i32
    %dma_start3A_35 = arith.constant 0 : i32
    %dma_start3A_36 = arith.constant 0 : i32
    %dma_start3A_37 = tpu.memref_slice %arg5[%dma_start3A_22, %dma_start3A_34, %dma_start3A_35, %dma_start3A_36] : memref<2x2x24x196xf32, #tpu.memory_space<vmem>> -> memref<1x2x24x196xf32, #tpu.memory_space<vmem>>
    %dma_start3A_38 = tpu.memref_squeeze %dma_start3A_37 : memref<1x2x24x196xf32, #tpu.memory_space<vmem>> -> memref<2x24x196xf32, #tpu.memory_space<vmem>>
    %dma_start3A_39 = arith.constant 2 : i32
    %dma_start3A_40 = arith.constant 0 : i32
    %dma_start3A_41 = tpu.memref_slice %arg2[%dma_start3A_39, %mul3A_2, %dma_start3A_40] : memref<80x768x196xf32, #tpu.memory_space<hbm>> -> memref<2x24x196xf32, #tpu.memory_space<hbm>>
    tpu.enqueue_dma source(%dma_start3A_41 : memref<2x24x196xf32, #tpu.memory_space<hbm>>) target(%dma_start3A_38 : memref<2x24x196xf32, #tpu.memory_space<vmem>>) target_semaphore(%dma_start3A_33 : memref<!tpu.dma_semaphore, #tpu.memory_space<semaphore_mem>>)
    tpu.wait_dma2 semaphore(%arg8 : memref<!tpu.dma_semaphore, #tpu.memory_space<semaphore_mem>>) src(%arg3 : memref<80x768xf32, #tpu.memory_space<hbm>>) dst(%arg6 : memref<80x768xf32, #tpu.memory_space<vmem>>)
    %iota3A = tpu.iota {dimensions = array<i32: 0>} : vector<16xi32>
    %add3A_42 = arith.constant 0 : i32
    %add3A_43 = vector.broadcast %add3A_42 : i32 to vector<16xi32>
    %add3A_44 = arith.addi %iota3A, %add3A_43 : vector<16xi32>
    %iota3A_45 = tpu.iota {dimensions = array<i32: 0>} : vector<16xi32>
    %add3A_46 = arith.constant 180 : i32
    %add3A_47 = vector.broadcast %add3A_46 : i32 to vector<16xi32>
    %add3A_48 = arith.addi %add3A_47, %iota3A_45 : vector<16xi32>
    %min3A = arith.minsi %add3A_44, %add3A_48 : vector<16xi32>
    %iota3A_49 = tpu.iota {dimensions = array<i32: 0>} : vector<16xi32>
    %add3A_50 = arith.constant 16 : i32
    %add3A_51 = vector.broadcast %add3A_50 : i32 to vector<16xi32>
    %add3A_52 = arith.addi %iota3A_49, %add3A_51 : vector<16xi32>
    %iota3A_53 = tpu.iota {dimensions = array<i32: 0>} : vector<16xi32>
    %add3A_54 = arith.constant 180 : i32
    %add3A_55 = vector.broadcast %add3A_54 : i32 to vector<16xi32>
    %add3A_56 = arith.addi %add3A_55, %iota3A_53 : vector<16xi32>
    %min3A_57 = arith.minsi %add3A_52, %add3A_56 : vector<16xi32>
    %iota3A_58 = tpu.iota {dimensions = array<i32: 0>} : vector<16xi32>
    %add3A_59 = arith.constant 32 : i32
    %add3A_60 = vector.broadcast %add3A_59 : i32 to vector<16xi32>
    %add3A_61 = arith.addi %iota3A_58, %add3A_60 : vector<16xi32>
    %iota3A_62 = tpu.iota {dimensions = array<i32: 0>} : vector<16xi32>
    %add3A_63 = arith.constant 180 : i32
    %add3A_64 = vector.broadcast %add3A_63 : i32 to vector<16xi32>
    %add3A_65 = arith.addi %add3A_64, %iota3A_62 : vector<16xi32>
    %min3A_66 = arith.minsi %add3A_61, %add3A_65 : vector<16xi32>
    %iota3A_67 = tpu.iota {dimensions = array<i32: 0>} : vector<16xi32>
    %add3A_68 = arith.constant 48 : i32
    %add3A_69 = vector.broadcast %add3A_68 : i32 to vector<16xi32>
    %add3A_70 = arith.addi %iota3A_67, %add3A_69 : vector<16xi32>
    %iota3A_71 = tpu.iota {dimensions = array<i32: 0>} : vector<16xi32>
    %add3A_72 = arith.constant 180 : i32
    %add3A_73 = vector.broadcast %add3A_72 : i32 to vector<16xi32>
    %add3A_74 = arith.addi %add3A_73, %iota3A_71 : vector<16xi32>
    %min3A_75 = arith.minsi %add3A_70, %add3A_74 : vector<16xi32>
    %iota3A_76 = tpu.iota {dimensions = array<i32: 0>} : vector<16xi32>
    %add3A_77 = arith.constant 64 : i32
    %add3A_78 = vector.broadcast %add3A_77 : i32 to vector<16xi32>
    %add3A_79 = arith.addi %iota3A_76, %add3A_78 : vector<16xi32>
    %iota3A_80 = tpu.iota {dimensions = array<i32: 0>} : vector<16xi32>
    %add3A_81 = arith.constant 180 : i32
    %add3A_82 = vector.broadcast %add3A_81 : i32 to vector<16xi32>
    %add3A_83 = arith.addi %add3A_82, %iota3A_80 : vector<16xi32>
    %min3A_84 = arith.minsi %add3A_79, %add3A_83 : vector<16xi32>
    %iota3A_85 = tpu.iota {dimensions = array<i32: 0>} : vector<16xi32>
    %add3A_86 = arith.constant 80 : i32
    %add3A_87 = vector.broadcast %add3A_86 : i32 to vector<16xi32>
    %add3A_88 = arith.addi %iota3A_85, %add3A_87 : vector<16xi32>
    %iota3A_89 = tpu.iota {dimensions = array<i32: 0>} : vector<16xi32>
    %add3A_90 = arith.constant 180 : i32
    %add3A_91 = vector.broadcast %add3A_90 : i32 to vector<16xi32>
    %add3A_92 = arith.addi %add3A_91, %iota3A_89 : vector<16xi32>
    %min3A_93 = arith.minsi %add3A_88, %add3A_92 : vector<16xi32>
    %iota3A_94 = tpu.iota {dimensions = array<i32: 0>} : vector<16xi32>
    %add3A_95 = arith.constant 96 : i32
    %add3A_96 = vector.broadcast %add3A_95 : i32 to vector<16xi32>
    %add3A_97 = arith.addi %iota3A_94, %add3A_96 : vector<16xi32>
    %iota3A_98 = tpu.iota {dimensions = array<i32: 0>} : vector<16xi32>
    %add3A_99 = arith.constant 180 : i32
    %add3A_100 = vector.broadcast %add3A_99 : i32 to vector<16xi32>
    %add3A_101 = arith.addi %add3A_100, %iota3A_98 : vector<16xi32>
    %min3A_102 = arith.minsi %add3A_97, %add3A_101 : vector<16xi32>
    %iota3A_103 = tpu.iota {dimensions = array<i32: 0>} : vector<16xi32>
    %add3A_104 = arith.constant 112 : i32
    %add3A_105 = vector.broadcast %add3A_104 : i32 to vector<16xi32>
    %add3A_106 = arith.addi %iota3A_103, %add3A_105 : vector<16xi32>
    %iota3A_107 = tpu.iota {dimensions = array<i32: 0>} : vector<16xi32>
    %add3A_108 = arith.constant 180 : i32
    %add3A_109 = vector.broadcast %add3A_108 : i32 to vector<16xi32>
    %add3A_110 = arith.addi %add3A_109, %iota3A_107 : vector<16xi32>
    %min3A_111 = arith.minsi %add3A_106, %add3A_110 : vector<16xi32>
    %iota3A_112 = tpu.iota {dimensions = array<i32: 0>} : vector<16xi32>
    %add3A_113 = arith.constant 128 : i32
    %add3A_114 = vector.broadcast %add3A_113 : i32 to vector<16xi32>
    %add3A_115 = arith.addi %iota3A_112, %add3A_114 : vector<16xi32>
    %iota3A_116 = tpu.iota {dimensions = array<i32: 0>} : vector<16xi32>
    %add3A_117 = arith.constant 180 : i32
    %add3A_118 = vector.broadcast %add3A_117 : i32 to vector<16xi32>
    %add3A_119 = arith.addi %add3A_118, %iota3A_116 : vector<16xi32>
    %min3A_120 = arith.minsi %add3A_115, %add3A_119 : vector<16xi32>
    %iota3A_121 = tpu.iota {dimensions = array<i32: 0>} : vector<16xi32>
    %add3A_122 = arith.constant 144 : i32
    %add3A_123 = vector.broadcast %add3A_122 : i32 to vector<16xi32>
    %add3A_124 = arith.addi %iota3A_121, %add3A_123 : vector<16xi32>
    %iota3A_125 = tpu.iota {dimensions = array<i32: 0>} : vector<16xi32>
    %add3A_126 = arith.constant 180 : i32
    %add3A_127 = vector.broadcast %add3A_126 : i32 to vector<16xi32>
    %add3A_128 = arith.addi %add3A_127, %iota3A_125 : vector<16xi32>
    %min3A_129 = arith.minsi %add3A_124, %add3A_128 : vector<16xi32>
    %iota3A_130 = tpu.iota {dimensions = array<i32: 0>} : vector<16xi32>
    %add3A_131 = arith.constant 160 : i32
    %add3A_132 = vector.broadcast %add3A_131 : i32 to vector<16xi32>
    %add3A_133 = arith.addi %iota3A_130, %add3A_132 : vector<16xi32>
    %iota3A_134 = tpu.iota {dimensions = array<i32: 0>} : vector<16xi32>
    %add3A_135 = arith.constant 180 : i32
    %add3A_136 = vector.broadcast %add3A_135 : i32 to vector<16xi32>
    %add3A_137 = arith.addi %add3A_136, %iota3A_134 : vector<16xi32>
    %min3A_138 = arith.minsi %add3A_133, %add3A_137 : vector<16xi32>
    %iota3A_139 = tpu.iota {dimensions = array<i32: 0>} : vector<16xi32>
    %add3A_140 = arith.constant 176 : i32
    %add3A_141 = vector.broadcast %add3A_140 : i32 to vector<16xi32>
    %add3A_142 = arith.addi %iota3A_139, %add3A_141 : vector<16xi32>
    %iota3A_143 = tpu.iota {dimensions = array<i32: 0>} : vector<16xi32>
    %add3A_144 = arith.constant 180 : i32
    %add3A_145 = vector.broadcast %add3A_144 : i32 to vector<16xi32>
    %add3A_146 = arith.addi %add3A_145, %iota3A_143 : vector<16xi32>
    %min3A_147 = arith.minsi %add3A_142, %add3A_146 : vector<16xi32>
    %iota3A_148 = tpu.iota {dimensions = array<i32: 0>} : vector<16xi32>
    %add3A_149 = arith.constant 192 : i32
    %add3A_150 = vector.broadcast %add3A_149 : i32 to vector<16xi32>
    %add3A_151 = arith.addi %iota3A_148, %add3A_150 : vector<16xi32>
    %iota3A_152 = tpu.iota {dimensions = array<i32: 0>} : vector<16xi32>
    %add3A_153 = arith.constant 180 : i32
    %add3A_154 = vector.broadcast %add3A_153 : i32 to vector<16xi32>
    %add3A_155 = arith.addi %add3A_154, %iota3A_152 : vector<16xi32>
    %min3A_156 = arith.minsi %add3A_151, %add3A_155 : vector<16xi32>
    %scan3A = arith.constant 0 : i32
    %scan3A_157 = arith.constant 20 : i32
    %scan3A_158 = arith.addi %scan3A, %scan3A_157 : i32
    %scan3A_159 = arith.constant 1 : i32
    scf.for %scan3A_259 = %scan3A to %scan3A_158 step %scan3A_159  : i32 {
      %mul3A_260 = arith.constant 1 : i32
      %mul3A_261 = arith.muli %scan3A_259, %mul3A_260 : i32
      %add3A_262 = arith.constant 0 : i32
      %add3A_263 = arith.addi %add3A_262, %mul3A_261 : i32
      %mul3A_264 = arith.constant 2 : i32
      %mul3A_265 = arith.muli %add3A_263, %mul3A_264 : i32
      %add3A_266 = arith.constant 0 : i32
      %add3A_267 = arith.addi %mul3A_265, %add3A_266 : i32
      %mul3A_268 = arith.constant 2 : i32
      %mul3A_269 = arith.muli %add3A_267, %mul3A_268 : i32
      %dma_wait3A_270 = arith.constant 0 : i32
      %dma_wait3A_271 = arith.constant 0 : i32
      %dma_wait3A_272 = arith.constant 0 : i32
      %dma_wait3A_273 = arith.constant 0 : i32
      %dma_wait3A_274 = arith.constant 0 : i32
      %dma_wait3A_275 = tpu.memref_slice %arg5[%dma_wait3A_270, %dma_wait3A_272, %dma_wait3A_273, %dma_wait3A_274] : memref<2x2x24x196xf32, #tpu.memory_space<vmem>> -> memref<1x2x24x196xf32, #tpu.memory_space<vmem>>
      %dma_wait3A_276 = tpu.memref_squeeze %dma_wait3A_275 : memref<1x2x24x196xf32, #tpu.memory_space<vmem>> -> memref<2x24x196xf32, #tpu.memory_space<vmem>>
      %dma_wait3A_277 = arith.constant 0 : i32
      %dma_wait3A_278 = tpu.memref_slice %arg2[%mul3A_269, %mul3A_2, %dma_wait3A_277] : memref<80x768x196xf32, #tpu.memory_space<hbm>> -> memref<2x24x196xf32, #tpu.memory_space<hbm>>
      %dma_wait3A_279 = tpu.memref_slice %arg9[%dma_wait3A_271] : memref<2x!tpu.dma_semaphore, #tpu.memory_space<semaphore_mem>> -> memref<1x!tpu.dma_semaphore, #tpu.memory_space<semaphore_mem>>
      %dma_wait3A_280 = tpu.memref_squeeze %dma_wait3A_279 : memref<1x!tpu.dma_semaphore, #tpu.memory_space<semaphore_mem>> -> memref<!tpu.dma_semaphore, #tpu.memory_space<semaphore_mem>>
      %dma_wait3A_281 = arith.constant 0 : i32
      %dma_wait3A_282 = arith.constant 0 : i32
      %dma_wait3A_283 = arith.constant 0 : i32
      %dma_wait3A_284 = tpu.memref_slice %arg5[%dma_wait3A_270, %dma_wait3A_281, %dma_wait3A_282, %dma_wait3A_283] : memref<2x2x24x196xf32, #tpu.memory_space<vmem>> -> memref<1x2x24x196xf32, #tpu.memory_space<vmem>>
      %dma_wait3A_285 = tpu.memref_squeeze %dma_wait3A_284 : memref<1x2x24x196xf32, #tpu.memory_space<vmem>> -> memref<2x24x196xf32, #tpu.memory_space<vmem>>
      %dma_wait3A_286 = arith.constant 0 : i32
      %dma_wait3A_287 = tpu.memref_slice %arg2[%mul3A_269, %mul3A_2, %dma_wait3A_286] : memref<80x768x196xf32, #tpu.memory_space<hbm>> -> memref<2x24x196xf32, #tpu.memory_space<hbm>>
      tpu.wait_dma2 semaphore(%dma_wait3A_280 : memref<!tpu.dma_semaphore, #tpu.memory_space<semaphore_mem>>) src(%dma_wait3A_287 : memref<2x24x196xf32, #tpu.memory_space<hbm>>) dst(%dma_wait3A_285 : memref<2x24x196xf32, #tpu.memory_space<vmem>>)
      %ge3A = arith.constant 2 : i32
      %ge3A_288 = arith.cmpi sge, %add3A_267, %ge3A : i32
      %convert_element_type3A = arith.extui %ge3A_288 : i1 to i32
      %cond3A = arith.constant 0 : i32
      %cond3A_289 = arith.cmpi ne, %convert_element_type3A, %cond3A : i32
      scf.if %cond3A_289 {
        %sub3A_557 = arith.constant 2 : i32
        %sub3A_558 = arith.subi %add3A_267, %sub3A_557 : i32
        %mul3A_559 = arith.constant 2 : i32
        %mul3A_560 = arith.muli %sub3A_558, %mul3A_559 : i32
        %jit3A_561 = arith.constant 16 : i32
        %div3A_562 = arith.divsi %mul3A_560, %jit3A_561 : i32
        %sign3A_563 = arith.constant 0 : i32
        %sign3A_564 = arith.cmpi sgt, %mul3A_560, %sign3A_563 : i32
        %sign3A_565 = arith.extui %sign3A_564 : i1 to i32
        %sign3A_566 = arith.constant 0 : i32
        %sign3A_567 = arith.cmpi slt, %mul3A_560, %sign3A_566 : i32
        %sign3A_568 = arith.extui %sign3A_567 : i1 to i32
        %sign3A_569 = arith.subi %sign3A_565, %sign3A_568 : i32
        %sign3A_570 = arith.constant 0 : i32
        %sign3A_571 = arith.cmpi sgt, %jit3A_561, %sign3A_570 : i32
        %sign3A_572 = arith.extui %sign3A_571 : i1 to i32
        %sign3A_573 = arith.constant 0 : i32
        %sign3A_574 = arith.cmpi slt, %jit3A_561, %sign3A_573 : i32
        %sign3A_575 = arith.extui %sign3A_574 : i1 to i32
        %sign3A_576 = arith.subi %sign3A_572, %sign3A_575 : i32
        %ne3A_577 = arith.cmpi ne, %sign3A_569, %sign3A_576 : i32
        %rem3A_578 = arith.remsi %mul3A_560, %jit3A_561 : i32
        %ne3A_579 = arith.constant 0 : i32
        %ne3A_580 = arith.cmpi ne, %rem3A_578, %ne3A_579 : i32
        %and3A_581 = arith.andi %ne3A_577, %ne3A_580 : i1
        %sub3A_582 = arith.constant 1 : i32
        %sub3A_583 = arith.subi %div3A_562, %sub3A_582 : i32
        %select_n3A_584 = arith.select %and3A_581, %sub3A_583, %div3A_562 : i32
        %rem3A_585 = arith.constant 16 : i32
        %rem3A_586 = arith.remsi %mul3A_560, %rem3A_585 : i32
        %dma_wait3A_587 = arith.constant 0 : i32
        %dma_wait3A_588 = arith.constant 0 : i32
        %dma_wait3A_589 = arith.constant 0 : i32
        %dma_wait3A_590 = arith.constant 0 : i32
        %dma_wait3A_591 = arith.constant 0 : i32
        %dma_wait3A_592 = arith.constant 0 : i32
        %dma_wait3A_593 = tpu.memref_slice %arg7[%dma_wait3A_587, %dma_wait3A_590, %dma_wait3A_591, %dma_wait3A_592] : memref<2x2x24x196xf32, #tpu.memory_space<vmem>> -> memref<1x2x24x196xf32, #tpu.memory_space<vmem>>
        %dma_wait3A_594 = tpu.memref_squeeze %dma_wait3A_593 : memref<1x2x24x196xf32, #tpu.memory_space<vmem>> -> memref<2x24x196xf32, #tpu.memory_space<vmem>>
        %dma_wait3A_595 = arith.constant 0 : i32
        %dma_wait3A_596 = tpu.memref_slice %arg4[%select_n3A_584, %dma_wait3A_588, %rem3A_586, %mul3A_2, %dma_wait3A_595] : memref<5x2x16x768x196xf32, #tpu.memory_space<hbm>> -> memref<1x1x2x24x196xf32, #tpu.memory_space<hbm>>
        %dma_wait3A_597 = tpu.memref_squeeze %dma_wait3A_596 : memref<1x1x2x24x196xf32, #tpu.memory_space<hbm>> -> memref<2x24x196xf32, #tpu.memory_space<hbm>>
        %dma_wait3A_598 = tpu.memref_slice %arg10[%dma_wait3A_589] : memref<2x!tpu.dma_semaphore, #tpu.memory_space<semaphore_mem>> -> memref<1x!tpu.dma_semaphore, #tpu.memory_space<semaphore_mem>>
        %dma_wait3A_599 = tpu.memref_squeeze %dma_wait3A_598 : memref<1x!tpu.dma_semaphore, #tpu.memory_space<semaphore_mem>> -> memref<!tpu.dma_semaphore, #tpu.memory_space<semaphore_mem>>
        %dma_wait3A_600 = arith.constant 0 : i32
        %dma_wait3A_601 = tpu.memref_slice %arg4[%select_n3A_584, %dma_wait3A_588, %rem3A_586, %mul3A_2, %dma_wait3A_600] : memref<5x2x16x768x196xf32, #tpu.memory_space<hbm>> -> memref<1x1x2x24x196xf32, #tpu.memory_space<hbm>>
        %dma_wait3A_602 = tpu.memref_squeeze %dma_wait3A_601 : memref<1x1x2x24x196xf32, #tpu.memory_space<hbm>> -> memref<2x24x196xf32, #tpu.memory_space<hbm>>
        %dma_wait3A_603 = arith.constant 0 : i32
        %dma_wait3A_604 = arith.constant 0 : i32
        %dma_wait3A_605 = arith.constant 0 : i32
        %dma_wait3A_606 = tpu.memref_slice %arg7[%dma_wait3A_587, %dma_wait3A_603, %dma_wait3A_604, %dma_wait3A_605] : memref<2x2x24x196xf32, #tpu.memory_space<vmem>> -> memref<1x2x24x196xf32, #tpu.memory_space<vmem>>
        %dma_wait3A_607 = tpu.memref_squeeze %dma_wait3A_606 : memref<1x2x24x196xf32, #tpu.memory_space<vmem>> -> memref<2x24x196xf32, #tpu.memory_space<vmem>>
        tpu.wait_dma2 semaphore(%dma_wait3A_599 : memref<!tpu.dma_semaphore, #tpu.memory_space<semaphore_mem>>) src(%dma_wait3A_607 : memref<2x24x196xf32, #tpu.memory_space<vmem>>) dst(%dma_wait3A_602 : memref<2x24x196xf32, #tpu.memory_space<hbm>>)
        %sub3A_608 = arith.constant 2 : i32
        %sub3A_609 = arith.subi %add3A_267, %sub3A_608 : i32
        %mul3A_610 = arith.constant 2 : i32
        %mul3A_611 = arith.muli %sub3A_609, %mul3A_610 : i32
        %jit3A_612 = arith.constant 16 : i32
        %div3A_613 = arith.divsi %mul3A_611, %jit3A_612 : i32
        %sign3A_614 = arith.constant 0 : i32
        %sign3A_615 = arith.cmpi sgt, %mul3A_611, %sign3A_614 : i32
        %sign3A_616 = arith.extui %sign3A_615 : i1 to i32
        %sign3A_617 = arith.constant 0 : i32
        %sign3A_618 = arith.cmpi slt, %mul3A_611, %sign3A_617 : i32
        %sign3A_619 = arith.extui %sign3A_618 : i1 to i32
        %sign3A_620 = arith.subi %sign3A_616, %sign3A_619 : i32
        %sign3A_621 = arith.constant 0 : i32
        %sign3A_622 = arith.cmpi sgt, %jit3A_612, %sign3A_621 : i32
        %sign3A_623 = arith.extui %sign3A_622 : i1 to i32
        %sign3A_624 = arith.constant 0 : i32
        %sign3A_625 = arith.cmpi slt, %jit3A_612, %sign3A_624 : i32
        %sign3A_626 = arith.extui %sign3A_625 : i1 to i32
        %sign3A_627 = arith.subi %sign3A_623, %sign3A_626 : i32
        %ne3A_628 = arith.cmpi ne, %sign3A_620, %sign3A_627 : i32
        %rem3A_629 = arith.remsi %mul3A_611, %jit3A_612 : i32
        %ne3A_630 = arith.constant 0 : i32
        %ne3A_631 = arith.cmpi ne, %rem3A_629, %ne3A_630 : i32
        %and3A_632 = arith.andi %ne3A_628, %ne3A_631 : i1
        %sub3A_633 = arith.constant 1 : i32
        %sub3A_634 = arith.subi %div3A_613, %sub3A_633 : i32
        %select_n3A_635 = arith.select %and3A_632, %sub3A_634, %div3A_613 : i32
        %rem3A_636 = arith.constant 16 : i32
        %rem3A_637 = arith.remsi %mul3A_611, %rem3A_636 : i32
        %dma_wait3A_638 = arith.constant 0 : i32
        %dma_wait3A_639 = arith.constant 1 : i32
        %dma_wait3A_640 = arith.constant 0 : i32
        %dma_wait3A_641 = arith.constant 0 : i32
        %dma_wait3A_642 = arith.constant 0 : i32
        %dma_wait3A_643 = arith.constant 0 : i32
        %dma_wait3A_644 = tpu.memref_slice %arg7[%dma_wait3A_638, %dma_wait3A_641, %dma_wait3A_642, %dma_wait3A_643] : memref<2x2x24x196xf32, #tpu.memory_space<vmem>> -> memref<1x2x24x196xf32, #tpu.memory_space<vmem>>
        %dma_wait3A_645 = tpu.memref_squeeze %dma_wait3A_644 : memref<1x2x24x196xf32, #tpu.memory_space<vmem>> -> memref<2x24x196xf32, #tpu.memory_space<vmem>>
        %dma_wait3A_646 = arith.constant 0 : i32
        %dma_wait3A_647 = tpu.memref_slice %arg4[%select_n3A_635, %dma_wait3A_639, %rem3A_637, %mul3A_2, %dma_wait3A_646] : memref<5x2x16x768x196xf32, #tpu.memory_space<hbm>> -> memref<1x1x2x24x196xf32, #tpu.memory_space<hbm>>
        %dma_wait3A_648 = tpu.memref_squeeze %dma_wait3A_647 : memref<1x1x2x24x196xf32, #tpu.memory_space<hbm>> -> memref<2x24x196xf32, #tpu.memory_space<hbm>>
        %dma_wait3A_649 = tpu.memref_slice %arg10[%dma_wait3A_640] : memref<2x!tpu.dma_semaphore, #tpu.memory_space<semaphore_mem>> -> memref<1x!tpu.dma_semaphore, #tpu.memory_space<semaphore_mem>>
        %dma_wait3A_650 = tpu.memref_squeeze %dma_wait3A_649 : memref<1x!tpu.dma_semaphore, #tpu.memory_space<semaphore_mem>> -> memref<!tpu.dma_semaphore, #tpu.memory_space<semaphore_mem>>
        %dma_wait3A_651 = arith.constant 0 : i32
        %dma_wait3A_652 = tpu.memref_slice %arg4[%select_n3A_635, %dma_wait3A_639, %rem3A_637, %mul3A_2, %dma_wait3A_651] : memref<5x2x16x768x196xf32, #tpu.memory_space<hbm>> -> memref<1x1x2x24x196xf32, #tpu.memory_space<hbm>>
        %dma_wait3A_653 = tpu.memref_squeeze %dma_wait3A_652 : memref<1x1x2x24x196xf32, #tpu.memory_space<hbm>> -> memref<2x24x196xf32, #tpu.memory_space<hbm>>
        %dma_wait3A_654 = arith.constant 0 : i32
        %dma_wait3A_655 = arith.constant 0 : i32
        %dma_wait3A_656 = arith.constant 0 : i32
        %dma_wait3A_657 = tpu.memref_slice %arg7[%dma_wait3A_638, %dma_wait3A_654, %dma_wait3A_655, %dma_wait3A_656] : memref<2x2x24x196xf32, #tpu.memory_space<vmem>> -> memref<1x2x24x196xf32, #tpu.memory_space<vmem>>
        %dma_wait3A_658 = tpu.memref_squeeze %dma_wait3A_657 : memref<1x2x24x196xf32, #tpu.memory_space<vmem>> -> memref<2x24x196xf32, #tpu.memory_space<vmem>>
        tpu.wait_dma2 semaphore(%dma_wait3A_650 : memref<!tpu.dma_semaphore, #tpu.memory_space<semaphore_mem>>) src(%dma_wait3A_658 : memref<2x24x196xf32, #tpu.memory_space<vmem>>) dst(%dma_wait3A_653 : memref<2x24x196xf32, #tpu.memory_space<hbm>>)
      } else {
      }
      %mul3A_290 = arith.constant 2 : i32
      %mul3A_291 = arith.muli %add3A_267, %mul3A_290 : i32
      %add3A_292 = arith.constant 0 : i32
      %add3A_293 = arith.addi %mul3A_291, %add3A_292 : i32
      %scan3A_294 = arith.constant 0 : i32
      %scan3A_295 = arith.constant 24 : i32
      %scan3A_296 = arith.addi %scan3A_294, %scan3A_295 : i32
      %scan3A_297 = arith.constant 1 : i32
      scf.for %scan3A_557 = %scan3A_294 to %scan3A_296 step %scan3A_297  : i32 {
        %mul3A_558 = arith.constant 1 : i32
        %mul3A_559 = arith.muli %scan3A_557, %mul3A_558 : i32
        %add3A_560 = arith.constant 0 : i32
        %add3A_561 = arith.addi %add3A_560, %mul3A_559 : i32
        %broadcast_in_dim3A = vector.broadcast %add3A_561 : i32 to vector<16xi32>
        %broadcast_in_dim3A_562 = vector.broadcast %add3A_293 : i32 to vector<16xi32>
        %add3A_563 = arith.addi %mul3A_2, %add3A_561 : i32
        %broadcast_in_dim3A_564 = vector.broadcast %add3A_563 : i32 to vector<16xi32>
        %gather3A = tpu.vector_load_idx %arg6[%broadcast_in_dim3A_562, %broadcast_in_dim3A_564] : memref<80x768xf32, #tpu.memory_space<vmem>>[vector<16xi32>, vector<16xi32>], vector<16xf32>,
        %get3A = arith.constant 0 : i32
        %get3A_565 = arith.constant 0 : i32
        %get3A_566 = arith.index_cast %get3A : i32 to index
        %get3A_567 = arith.index_cast %get3A_565 : i32 to index
        %get3A_568 = arith.index_cast %add3A_561 : i32 to index
        %get3A_569 = arith.constant 0 : index
        %get3A_570 = tpu.vector_load %arg5[%get3A_566, %get3A_567, %get3A_568, %get3A_569] {strides = array<i32>} : memref<2x2x24x196xf32, #tpu.memory_space<vmem>>, vector<16xf32>,
        %mul3A_571 = arith.mulf %get3A_570, %gather3A : vector<16xf32>
        %swap3A = arith.constant 0 : i32
        %swap3A_572 = arith.constant 0 : i32
        %swap3A_573 = arith.index_cast %swap3A : i32 to index
        %swap3A_574 = arith.index_cast %swap3A_572 : i32 to index
        %swap3A_575 = arith.index_cast %add3A_561 : i32 to index
        %swap3A_576 = arith.constant 0 : index
        %swap3A_577 = tpu.vector_load %arg7[%swap3A_573, %swap3A_574, %swap3A_575, %swap3A_576] {strides = array<i32>} : memref<2x2x24x196xf32, #tpu.memory_space<vmem>>, vector<16xf32>,
        tpu.vector_store %arg7[%swap3A_573, %swap3A_574, %swap3A_575, %swap3A_576], %mul3A_571 {strides = array<i32>} : memref<2x2x24x196xf32, #tpu.memory_space<vmem>>, vector<16xf32>,
        %get3A_578 = arith.constant 0 : i32
        %get3A_579 = arith.constant 0 : i32
        %get3A_580 = arith.index_cast %get3A_578 : i32 to index
        %get3A_581 = arith.index_cast %get3A_579 : i32 to index
        %get3A_582 = arith.index_cast %add3A_561 : i32 to index
        %get3A_583 = arith.constant 16 : index
        %get3A_584 = tpu.vector_load %arg5[%get3A_580, %get3A_581, %get3A_582, %get3A_583] {strides = array<i32>} : memref<2x2x24x196xf32, #tpu.memory_space<vmem>>, vector<16xf32>,
        %mul3A_585 = arith.mulf %get3A_584, %gather3A : vector<16xf32>
        %swap3A_586 = arith.constant 0 : i32
        %swap3A_587 = arith.constant 0 : i32
        %swap3A_588 = arith.index_cast %swap3A_586 : i32 to index
        %swap3A_589 = arith.index_cast %swap3A_587 : i32 to index
        %swap3A_590 = arith.index_cast %add3A_561 : i32 to index
        %swap3A_591 = arith.constant 16 : index
        %swap3A_592 = tpu.vector_load %arg7[%swap3A_588, %swap3A_589, %swap3A_590, %swap3A_591] {strides = array<i32>} : memref<2x2x24x196xf32, #tpu.memory_space<vmem>>, vector<16xf32>,
        tpu.vector_store %arg7[%swap3A_588, %swap3A_589, %swap3A_590, %swap3A_591], %mul3A_585 {strides = array<i32>} : memref<2x2x24x196xf32, #tpu.memory_space<vmem>>, vector<16xf32>,
        %get3A_593 = arith.constant 0 : i32
        %get3A_594 = arith.constant 0 : i32
        %get3A_595 = arith.index_cast %get3A_593 : i32 to index
        %get3A_596 = arith.index_cast %get3A_594 : i32 to index
        %get3A_597 = arith.index_cast %add3A_561 : i32 to index
        %get3A_598 = arith.constant 32 : index
        %get3A_599 = tpu.vector_load %arg5[%get3A_595, %get3A_596, %get3A_597, %get3A_598] {strides = array<i32>} : memref<2x2x24x196xf32, #tpu.memory_space<vmem>>, vector<16xf32>,
        %mul3A_600 = arith.mulf %get3A_599, %gather3A : vector<16xf32>
        %swap3A_601 = arith.constant 0 : i32
        %swap3A_602 = arith.constant 0 : i32
        %swap3A_603 = arith.index_cast %swap3A_601 : i32 to index
        %swap3A_604 = arith.index_cast %swap3A_602 : i32 to index
        %swap3A_605 = arith.index_cast %add3A_561 : i32 to index
        %swap3A_606 = arith.constant 32 : index
        %swap3A_607 = tpu.vector_load %arg7[%swap3A_603, %swap3A_604, %swap3A_605, %swap3A_606] {strides = array<i32>} : memref<2x2x24x196xf32, #tpu.memory_space<vmem>>, vector<16xf32>,
        tpu.vector_store %arg7[%swap3A_603, %swap3A_604, %swap3A_605, %swap3A_606], %mul3A_600 {strides = array<i32>} : memref<2x2x24x196xf32, #tpu.memory_space<vmem>>, vector<16xf32>,
        %get3A_608 = arith.constant 0 : i32
        %get3A_609 = arith.constant 0 : i32
        %get3A_610 = arith.index_cast %get3A_608 : i32 to index
        %get3A_611 = arith.index_cast %get3A_609 : i32 to index
        %get3A_612 = arith.index_cast %add3A_561 : i32 to index
        %get3A_613 = arith.constant 48 : index
        %get3A_614 = tpu.vector_load %arg5[%get3A_610, %get3A_611, %get3A_612, %get3A_613] {strides = array<i32>} : memref<2x2x24x196xf32, #tpu.memory_space<vmem>>, vector<16xf32>,
        %mul3A_615 = arith.mulf %get3A_614, %gather3A : vector<16xf32>
        %swap3A_616 = arith.constant 0 : i32
        %swap3A_617 = arith.constant 0 : i32
        %swap3A_618 = arith.index_cast %swap3A_616 : i32 to index
        %swap3A_619 = arith.index_cast %swap3A_617 : i32 to index
        %swap3A_620 = arith.index_cast %add3A_561 : i32 to index
        %swap3A_621 = arith.constant 48 : index
        %swap3A_622 = tpu.vector_load %arg7[%swap3A_618, %swap3A_619, %swap3A_620, %swap3A_621] {strides = array<i32>} : memref<2x2x24x196xf32, #tpu.memory_space<vmem>>, vector<16xf32>,
        tpu.vector_store %arg7[%swap3A_618, %swap3A_619, %swap3A_620, %swap3A_621], %mul3A_615 {strides = array<i32>} : memref<2x2x24x196xf32, #tpu.memory_space<vmem>>, vector<16xf32>,
        %get3A_623 = arith.constant 0 : i32
        %get3A_624 = arith.constant 0 : i32
        %get3A_625 = arith.index_cast %get3A_623 : i32 to index
        %get3A_626 = arith.index_cast %get3A_624 : i32 to index
        %get3A_627 = arith.index_cast %add3A_561 : i32 to index
        %get3A_628 = arith.constant 64 : index
        %get3A_629 = tpu.vector_load %arg5[%get3A_625, %get3A_626, %get3A_627, %get3A_628] {strides = array<i32>} : memref<2x2x24x196xf32, #tpu.memory_space<vmem>>, vector<16xf32>,
        %mul3A_630 = arith.mulf %get3A_629, %gather3A : vector<16xf32>
        %swap3A_631 = arith.constant 0 : i32
        %swap3A_632 = arith.constant 0 : i32
        %swap3A_633 = arith.index_cast %swap3A_631 : i32 to index
        %swap3A_634 = arith.index_cast %swap3A_632 : i32 to index
        %swap3A_635 = arith.index_cast %add3A_561 : i32 to index
        %swap3A_636 = arith.constant 64 : index
        %swap3A_637 = tpu.vector_load %arg7[%swap3A_633, %swap3A_634, %swap3A_635, %swap3A_636] {strides = array<i32>} : memref<2x2x24x196xf32, #tpu.memory_space<vmem>>, vector<16xf32>,
        tpu.vector_store %arg7[%swap3A_633, %swap3A_634, %swap3A_635, %swap3A_636], %mul3A_630 {strides = array<i32>} : memref<2x2x24x196xf32, #tpu.memory_space<vmem>>, vector<16xf32>,
        %get3A_638 = arith.constant 0 : i32
        %get3A_639 = arith.constant 0 : i32
        %get3A_640 = arith.index_cast %get3A_638 : i32 to index
        %get3A_641 = arith.index_cast %get3A_639 : i32 to index
        %get3A_642 = arith.index_cast %add3A_561 : i32 to index
        %get3A_643 = arith.constant 80 : index
        %get3A_644 = tpu.vector_load %arg5[%get3A_640, %get3A_641, %get3A_642, %get3A_643] {strides = array<i32>} : memref<2x2x24x196xf32, #tpu.memory_space<vmem>>, vector<16xf32>,
        %mul3A_645 = arith.mulf %get3A_644, %gather3A : vector<16xf32>
        %swap3A_646 = arith.constant 0 : i32
        %swap3A_647 = arith.constant 0 : i32
        %swap3A_648 = arith.index_cast %swap3A_646 : i32 to index
        %swap3A_649 = arith.index_cast %swap3A_647 : i32 to index
        %swap3A_650 = arith.index_cast %add3A_561 : i32 to index
        %swap3A_651 = arith.constant 80 : index
        %swap3A_652 = tpu.vector_load %arg7[%swap3A_648, %swap3A_649, %swap3A_650, %swap3A_651] {strides = array<i32>} : memref<2x2x24x196xf32, #tpu.memory_space<vmem>>, vector<16xf32>,
        tpu.vector_store %arg7[%swap3A_648, %swap3A_649, %swap3A_650, %swap3A_651], %mul3A_645 {strides = array<i32>} : memref<2x2x24x196xf32, #tpu.memory_space<vmem>>, vector<16xf32>,
        %get3A_653 = arith.constant 0 : i32
        %get3A_654 = arith.constant 0 : i32
        %get3A_655 = arith.index_cast %get3A_653 : i32 to index
        %get3A_656 = arith.index_cast %get3A_654 : i32 to index
        %get3A_657 = arith.index_cast %add3A_561 : i32 to index
        %get3A_658 = arith.constant 96 : index
        %get3A_659 = tpu.vector_load %arg5[%get3A_655, %get3A_656, %get3A_657, %get3A_658] {strides = array<i32>} : memref<2x2x24x196xf32, #tpu.memory_space<vmem>>, vector<16xf32>,
        %mul3A_660 = arith.mulf %get3A_659, %gather3A : vector<16xf32>
        %swap3A_661 = arith.constant 0 : i32
        %swap3A_662 = arith.constant 0 : i32
        %swap3A_663 = arith.index_cast %swap3A_661 : i32 to index
        %swap3A_664 = arith.index_cast %swap3A_662 : i32 to index
        %swap3A_665 = arith.index_cast %add3A_561 : i32 to index
        %swap3A_666 = arith.constant 96 : index
        %swap3A_667 = tpu.vector_load %arg7[%swap3A_663, %swap3A_664, %swap3A_665, %swap3A_666] {strides = array<i32>} : memref<2x2x24x196xf32, #tpu.memory_space<vmem>>, vector<16xf32>,
        tpu.vector_store %arg7[%swap3A_663, %swap3A_664, %swap3A_665, %swap3A_666], %mul3A_660 {strides = array<i32>} : memref<2x2x24x196xf32, #tpu.memory_space<vmem>>, vector<16xf32>,
        %get3A_668 = arith.constant 0 : i32
        %get3A_669 = arith.constant 0 : i32
        %get3A_670 = arith.index_cast %get3A_668 : i32 to index
        %get3A_671 = arith.index_cast %get3A_669 : i32 to index
        %get3A_672 = arith.index_cast %add3A_561 : i32 to index
        %get3A_673 = arith.constant 112 : index
        %get3A_674 = tpu.vector_load %arg5[%get3A_670, %get3A_671, %get3A_672, %get3A_673] {strides = array<i32>} : memref<2x2x24x196xf32, #tpu.memory_space<vmem>>, vector<16xf32>,
        %mul3A_675 = arith.mulf %get3A_674, %gather3A : vector<16xf32>
        %swap3A_676 = arith.constant 0 : i32
        %swap3A_677 = arith.constant 0 : i32
        %swap3A_678 = arith.index_cast %swap3A_676 : i32 to index
        %swap3A_679 = arith.index_cast %swap3A_677 : i32 to index
        %swap3A_680 = arith.index_cast %add3A_561 : i32 to index
        %swap3A_681 = arith.constant 112 : index
        %swap3A_682 = tpu.vector_load %arg7[%swap3A_678, %swap3A_679, %swap3A_680, %swap3A_681] {strides = array<i32>} : memref<2x2x24x196xf32, #tpu.memory_space<vmem>>, vector<16xf32>,
        tpu.vector_store %arg7[%swap3A_678, %swap3A_679, %swap3A_680, %swap3A_681], %mul3A_675 {strides = array<i32>} : memref<2x2x24x196xf32, #tpu.memory_space<vmem>>, vector<16xf32>,
        %get3A_683 = arith.constant 0 : i32
        %get3A_684 = arith.constant 0 : i32
        %get3A_685 = arith.index_cast %get3A_683 : i32 to index
        %get3A_686 = arith.index_cast %get3A_684 : i32 to index
        %get3A_687 = arith.index_cast %add3A_561 : i32 to index
        %get3A_688 = arith.constant 128 : index
        %get3A_689 = tpu.vector_load %arg5[%get3A_685, %get3A_686, %get3A_687, %get3A_688] {strides = array<i32>} : memref<2x2x24x196xf32, #tpu.memory_space<vmem>>, vector<16xf32>,
        %mul3A_690 = arith.mulf %get3A_689, %gather3A : vector<16xf32>
        %swap3A_691 = arith.constant 0 : i32
        %swap3A_692 = arith.constant 0 : i32
        %swap3A_693 = arith.index_cast %swap3A_691 : i32 to index
        %swap3A_694 = arith.index_cast %swap3A_692 : i32 to index
        %swap3A_695 = arith.index_cast %add3A_561 : i32 to index
        %swap3A_696 = arith.constant 128 : index
        %swap3A_697 = tpu.vector_load %arg7[%swap3A_693, %swap3A_694, %swap3A_695, %swap3A_696] {strides = array<i32>} : memref<2x2x24x196xf32, #tpu.memory_space<vmem>>, vector<16xf32>,
        tpu.vector_store %arg7[%swap3A_693, %swap3A_694, %swap3A_695, %swap3A_696], %mul3A_690 {strides = array<i32>} : memref<2x2x24x196xf32, #tpu.memory_space<vmem>>, vector<16xf32>,
        %get3A_698 = arith.constant 0 : i32
        %get3A_699 = arith.constant 0 : i32
        %get3A_700 = arith.index_cast %get3A_698 : i32 to index
        %get3A_701 = arith.index_cast %get3A_699 : i32 to index
        %get3A_702 = arith.index_cast %add3A_561 : i32 to index
        %get3A_703 = arith.constant 144 : index
        %get3A_704 = tpu.vector_load %arg5[%get3A_700, %get3A_701, %get3A_702, %get3A_703] {strides = array<i32>} : memref<2x2x24x196xf32, #tpu.memory_space<vmem>>, vector<16xf32>,
        %mul3A_705 = arith.mulf %get3A_704, %gather3A : vector<16xf32>
        %swap3A_706 = arith.constant 0 : i32
        %swap3A_707 = arith.constant 0 : i32
        %swap3A_708 = arith.index_cast %swap3A_706 : i32 to index
        %swap3A_709 = arith.index_cast %swap3A_707 : i32 to index
        %swap3A_710 = arith.index_cast %add3A_561 : i32 to index
        %swap3A_711 = arith.constant 144 : index
        %swap3A_712 = tpu.vector_load %arg7[%swap3A_708, %swap3A_709, %swap3A_710, %swap3A_711] {strides = array<i32>} : memref<2x2x24x196xf32, #tpu.memory_space<vmem>>, vector<16xf32>,
        tpu.vector_store %arg7[%swap3A_708, %swap3A_709, %swap3A_710, %swap3A_711], %mul3A_705 {strides = array<i32>} : memref<2x2x24x196xf32, #tpu.memory_space<vmem>>, vector<16xf32>,
        %get3A_713 = arith.constant 0 : i32
        %get3A_714 = arith.constant 0 : i32
        %get3A_715 = arith.index_cast %get3A_713 : i32 to index
        %get3A_716 = arith.index_cast %get3A_714 : i32 to index
        %get3A_717 = arith.index_cast %add3A_561 : i32 to index
        %get3A_718 = arith.constant 160 : index
        %get3A_719 = tpu.vector_load %arg5[%get3A_715, %get3A_716, %get3A_717, %get3A_718] {strides = array<i32>} : memref<2x2x24x196xf32, #tpu.memory_space<vmem>>, vector<16xf32>,
        %mul3A_720 = arith.mulf %get3A_719, %gather3A : vector<16xf32>
        %swap3A_721 = arith.constant 0 : i32
        %swap3A_722 = arith.constant 0 : i32
        %swap3A_723 = arith.index_cast %swap3A_721 : i32 to index
        %swap3A_724 = arith.index_cast %swap3A_722 : i32 to index
        %swap3A_725 = arith.index_cast %add3A_561 : i32 to index
        %swap3A_726 = arith.constant 160 : index
        %swap3A_727 = tpu.vector_load %arg7[%swap3A_723, %swap3A_724, %swap3A_725, %swap3A_726] {strides = array<i32>} : memref<2x2x24x196xf32, #tpu.memory_space<vmem>>, vector<16xf32>,
        tpu.vector_store %arg7[%swap3A_723, %swap3A_724, %swap3A_725, %swap3A_726], %mul3A_720 {strides = array<i32>} : memref<2x2x24x196xf32, #tpu.memory_space<vmem>>, vector<16xf32>,
        %get3A_728 = arith.constant 0 : i32
        %get3A_729 = arith.constant 0 : i32
        %get3A_730 = arith.index_cast %get3A_728 : i32 to index
        %get3A_731 = arith.index_cast %get3A_729 : i32 to index
        %get3A_732 = arith.index_cast %add3A_561 : i32 to index
        %get3A_733 = arith.constant 176 : index
        %get3A_734 = tpu.vector_load %arg5[%get3A_730, %get3A_731, %get3A_732, %get3A_733] {strides = array<i32>} : memref<2x2x24x196xf32, #tpu.memory_space<vmem>>, vector<16xf32>,
        %mul3A_735 = arith.mulf %get3A_734, %gather3A : vector<16xf32>
        %swap3A_736 = arith.constant 0 : i32
        %swap3A_737 = arith.constant 0 : i32
        %swap3A_738 = arith.index_cast %swap3A_736 : i32 to index
        %swap3A_739 = arith.index_cast %swap3A_737 : i32 to index
        %swap3A_740 = arith.index_cast %add3A_561 : i32 to index
        %swap3A_741 = arith.constant 176 : index
        %swap3A_742 = tpu.vector_load %arg7[%swap3A_738, %swap3A_739, %swap3A_740, %swap3A_741] {strides = array<i32>} : memref<2x2x24x196xf32, #tpu.memory_space<vmem>>, vector<16xf32>,
        tpu.vector_store %arg7[%swap3A_738, %swap3A_739, %swap3A_740, %swap3A_741], %mul3A_735 {strides = array<i32>} : memref<2x2x24x196xf32, #tpu.memory_space<vmem>>, vector<16xf32>,
        %gather3A_743 = arith.constant 0 : i32
        %gather3A_744 = arith.constant 0 : i32
        %gather3A_745 = arith.constant 0 : i32
        %gather3A_746 = arith.constant 0 : i32
        %gather3A_747 = tpu.memref_slice %arg5[%gather3A_743, %gather3A_744, %gather3A_745, %gather3A_746] : memref<2x2x24x196xf32, #tpu.memory_space<vmem>> -> memref<1x1x24x196xf32, #tpu.memory_space<vmem>>
        %gather3A_748 = tpu.memref_squeeze %gather3A_747 : memref<1x1x24x196xf32, #tpu.memory_space<vmem>> -> memref<24x196xf32, #tpu.memory_space<vmem>>
        %gather3A_749 = tpu.vector_load_idx %gather3A_748[%broadcast_in_dim3A, %min3A_156] : memref<24x196xf32, #tpu.memory_space<vmem>>[vector<16xi32>, vector<16xi32>], vector<16xf32>,
        %mul3A_750 = arith.mulf %gather3A_749, %gather3A : vector<16xf32>
        %scatter3A = arith.constant 0 : i32
        %scatter3A_751 = arith.constant 0 : i32
        %scatter3A_752 = arith.constant 0 : i32
        %scatter3A_753 = arith.constant 0 : i32
        %scatter3A_754 = tpu.memref_slice %arg7[%scatter3A, %scatter3A_751, %scatter3A_752, %scatter3A_753] : memref<2x2x24x196xf32, #tpu.memory_space<vmem>> -> memref<1x1x24x196xf32, #tpu.memory_space<vmem>>
        %scatter3A_755 = tpu.memref_squeeze %scatter3A_754 : memref<1x1x24x196xf32, #tpu.memory_space<vmem>> -> memref<24x196xf32, #tpu.memory_space<vmem>>
        tpu.vector_store_idx %scatter3A_755[%broadcast_in_dim3A, %min3A_156], %mul3A_750 : memref<24x196xf32, #tpu.memory_space<vmem>>[vector<16xi32>, vector<16xi32>], vector<16xf32>,
      }
      %scan3A_298 = arith.constant 24 : i32
      %mul3A_299 = arith.constant 2 : i32
      %mul3A_300 = arith.muli %add3A_267, %mul3A_299 : i32
      %add3A_301 = arith.constant 1 : i32
      %add3A_302 = arith.addi %mul3A_300, %add3A_301 : i32
      %scan3A_303 = arith.constant 0 : i32
      %scan3A_304 = arith.constant 24 : i32
      %scan3A_305 = arith.addi %scan3A_303, %scan3A_304 : i32
      %scan3A_306 = arith.constant 1 : i32
      scf.for %scan3A_557 = %scan3A_303 to %scan3A_305 step %scan3A_306  : i32 {
        %mul3A_558 = arith.constant 1 : i32
        %mul3A_559 = arith.muli %scan3A_557, %mul3A_558 : i32
        %add3A_560 = arith.constant 0 : i32
        %add3A_561 = arith.addi %add3A_560, %mul3A_559 : i32
        %broadcast_in_dim3A = vector.broadcast %add3A_561 : i32 to vector<16xi32>
        %broadcast_in_dim3A_562 = vector.broadcast %add3A_302 : i32 to vector<16xi32>
        %add3A_563 = arith.addi %mul3A_2, %add3A_561 : i32
        %broadcast_in_dim3A_564 = vector.broadcast %add3A_563 : i32 to vector<16xi32>
        %gather3A = tpu.vector_load_idx %arg6[%broadcast_in_dim3A_562, %broadcast_in_dim3A_564] : memref<80x768xf32, #tpu.memory_space<vmem>>[vector<16xi32>, vector<16xi32>], vector<16xf32>,
        %get3A = arith.constant 0 : i32
        %get3A_565 = arith.constant 1 : i32
        %get3A_566 = arith.index_cast %get3A : i32 to index
        %get3A_567 = arith.index_cast %get3A_565 : i32 to index
        %get3A_568 = arith.index_cast %add3A_561 : i32 to index
        %get3A_569 = arith.constant 0 : index
        %get3A_570 = tpu.vector_load %arg5[%get3A_566, %get3A_567, %get3A_568, %get3A_569] {strides = array<i32>} : memref<2x2x24x196xf32, #tpu.memory_space<vmem>>, vector<16xf32>,
        %mul3A_571 = arith.mulf %get3A_570, %gather3A : vector<16xf32>
        %swap3A = arith.constant 0 : i32
        %swap3A_572 = arith.constant 1 : i32
        %swap3A_573 = arith.index_cast %swap3A : i32 to index
        %swap3A_574 = arith.index_cast %swap3A_572 : i32 to index
        %swap3A_575 = arith.index_cast %add3A_561 : i32 to index
        %swap3A_576 = arith.constant 0 : index
        %swap3A_577 = tpu.vector_load %arg7[%swap3A_573, %swap3A_574, %swap3A_575, %swap3A_576] {strides = array<i32>} : memref<2x2x24x196xf32, #tpu.memory_space<vmem>>, vector<16xf32>,
        tpu.vector_store %arg7[%swap3A_573, %swap3A_574, %swap3A_575, %swap3A_576], %mul3A_571 {strides = array<i32>} : memref<2x2x24x196xf32, #tpu.memory_space<vmem>>, vector<16xf32>,
        %get3A_578 = arith.constant 0 : i32
        %get3A_579 = arith.constant 1 : i32
        %get3A_580 = arith.index_cast %get3A_578 : i32 to index
        %get3A_581 = arith.index_cast %get3A_579 : i32 to index
        %get3A_582 = arith.index_cast %add3A_561 : i32 to index
        %get3A_583 = arith.constant 16 : index
        %get3A_584 = tpu.vector_load %arg5[%get3A_580, %get3A_581, %get3A_582, %get3A_583] {strides = array<i32>} : memref<2x2x24x196xf32, #tpu.memory_space<vmem>>, vector<16xf32>,
        %mul3A_585 = arith.mulf %get3A_584, %gather3A : vector<16xf32>
        %swap3A_586 = arith.constant 0 : i32
        %swap3A_587 = arith.constant 1 : i32
        %swap3A_588 = arith.index_cast %swap3A_586 : i32 to index
        %swap3A_589 = arith.index_cast %swap3A_587 : i32 to index
        %swap3A_590 = arith.index_cast %add3A_561 : i32 to index
        %swap3A_591 = arith.constant 16 : index
        %swap3A_592 = tpu.vector_load %arg7[%swap3A_588, %swap3A_589, %swap3A_590, %swap3A_591] {strides = array<i32>} : memref<2x2x24x196xf32, #tpu.memory_space<vmem>>, vector<16xf32>,
        tpu.vector_store %arg7[%swap3A_588, %swap3A_589, %swap3A_590, %swap3A_591], %mul3A_585 {strides = array<i32>} : memref<2x2x24x196xf32, #tpu.memory_space<vmem>>, vector<16xf32>,
        %get3A_593 = arith.constant 0 : i32
        %get3A_594 = arith.constant 1 : i32
        %get3A_595 = arith.index_cast %get3A_593 : i32 to index
        %get3A_596 = arith.index_cast %get3A_594 : i32 to index
        %get3A_597 = arith.index_cast %add3A_561 : i32 to index
        %get3A_598 = arith.constant 32 : index
        %get3A_599 = tpu.vector_load %arg5[%get3A_595, %get3A_596, %get3A_597, %get3A_598] {strides = array<i32>} : memref<2x2x24x196xf32, #tpu.memory_space<vmem>>, vector<16xf32>,
        %mul3A_600 = arith.mulf %get3A_599, %gather3A : vector<16xf32>
        %swap3A_601 = arith.constant 0 : i32
        %swap3A_602 = arith.constant 1 : i32
        %swap3A_603 = arith.index_cast %swap3A_601 : i32 to index
        %swap3A_604 = arith.index_cast %swap3A_602 : i32 to index
        %swap3A_605 = arith.index_cast %add3A_561 : i32 to index
        %swap3A_606 = arith.constant 32 : index
        %swap3A_607 = tpu.vector_load %arg7[%swap3A_603, %swap3A_604, %swap3A_605, %swap3A_606] {strides = array<i32>} : memref<2x2x24x196xf32, #tpu.memory_space<vmem>>, vector<16xf32>,
        tpu.vector_store %arg7[%swap3A_603, %swap3A_604, %swap3A_605, %swap3A_606], %mul3A_600 {strides = array<i32>} : memref<2x2x24x196xf32, #tpu.memory_space<vmem>>, vector<16xf32>,
        %get3A_608 = arith.constant 0 : i32
        %get3A_609 = arith.constant 1 : i32
        %get3A_610 = arith.index_cast %get3A_608 : i32 to index
        %get3A_611 = arith.index_cast %get3A_609 : i32 to index
        %get3A_612 = arith.index_cast %add3A_561 : i32 to index
        %get3A_613 = arith.constant 48 : index
        %get3A_614 = tpu.vector_load %arg5[%get3A_610, %get3A_611, %get3A_612, %get3A_613] {strides = array<i32>} : memref<2x2x24x196xf32, #tpu.memory_space<vmem>>, vector<16xf32>,
        %mul3A_615 = arith.mulf %get3A_614, %gather3A : vector<16xf32>
        %swap3A_616 = arith.constant 0 : i32
        %swap3A_617 = arith.constant 1 : i32
        %swap3A_618 = arith.index_cast %swap3A_616 : i32 to index
        %swap3A_619 = arith.index_cast %swap3A_617 : i32 to index
        %swap3A_620 = arith.index_cast %add3A_561 : i32 to index
        %swap3A_621 = arith.constant 48 : index
        %swap3A_622 = tpu.vector_load %arg7[%swap3A_618, %swap3A_619, %swap3A_620, %swap3A_621] {strides = array<i32>} : memref<2x2x24x196xf32, #tpu.memory_space<vmem>>, vector<16xf32>,
        tpu.vector_store %arg7[%swap3A_618, %swap3A_619, %swap3A_620, %swap3A_621], %mul3A_615 {strides = array<i32>} : memref<2x2x24x196xf32, #tpu.memory_space<vmem>>, vector<16xf32>,
        %get3A_623 = arith.constant 0 : i32
        %get3A_624 = arith.constant 1 : i32
        %get3A_625 = arith.index_cast %get3A_623 : i32 to index
        %get3A_626 = arith.index_cast %get3A_624 : i32 to index
        %get3A_627 = arith.index_cast %add3A_561 : i32 to index
        %get3A_628 = arith.constant 64 : index
        %get3A_629 = tpu.vector_load %arg5[%get3A_625, %get3A_626, %get3A_627, %get3A_628] {strides = array<i32>} : memref<2x2x24x196xf32, #tpu.memory_space<vmem>>, vector<16xf32>,
        %mul3A_630 = arith.mulf %get3A_629, %gather3A : vector<16xf32>
        %swap3A_631 = arith.constant 0 : i32
        %swap3A_632 = arith.constant 1 : i32
        %swap3A_633 = arith.index_cast %swap3A_631 : i32 to index
        %swap3A_634 = arith.index_cast %swap3A_632 : i32 to index
        %swap3A_635 = arith.index_cast %add3A_561 : i32 to index
        %swap3A_636 = arith.constant 64 : index
        %swap3A_637 = tpu.vector_load %arg7[%swap3A_633, %swap3A_634, %swap3A_635, %swap3A_636] {strides = array<i32>} : memref<2x2x24x196xf32, #tpu.memory_space<vmem>>, vector<16xf32>,
        tpu.vector_store %arg7[%swap3A_633, %swap3A_634, %swap3A_635, %swap3A_636], %mul3A_630 {strides = array<i32>} : memref<2x2x24x196xf32, #tpu.memory_space<vmem>>, vector<16xf32>,
        %get3A_638 = arith.constant 0 : i32
        %get3A_639 = arith.constant 1 : i32
        %get3A_640 = arith.index_cast %get3A_638 : i32 to index
        %get3A_641 = arith.index_cast %get3A_639 : i32 to index
        %get3A_642 = arith.index_cast %add3A_561 : i32 to index
        %get3A_643 = arith.constant 80 : index
        %get3A_644 = tpu.vector_load %arg5[%get3A_640, %get3A_641, %get3A_642, %get3A_643] {strides = array<i32>} : memref<2x2x24x196xf32, #tpu.memory_space<vmem>>, vector<16xf32>,
        %mul3A_645 = arith.mulf %get3A_644, %gather3A : vector<16xf32>
        %swap3A_646 = arith.constant 0 : i32
        %swap3A_647 = arith.constant 1 : i32
        %swap3A_648 = arith.index_cast %swap3A_646 : i32 to index
        %swap3A_649 = arith.index_cast %swap3A_647 : i32 to index
        %swap3A_650 = arith.index_cast %add3A_561 : i32 to index
        %swap3A_651 = arith.constant 80 : index
        %swap3A_652 = tpu.vector_load %arg7[%swap3A_648, %swap3A_649, %swap3A_650, %swap3A_651] {strides = array<i32>} : memref<2x2x24x196xf32, #tpu.memory_space<vmem>>, vector<16xf32>,
        tpu.vector_store %arg7[%swap3A_648, %swap3A_649, %swap3A_650, %swap3A_651], %mul3A_645 {strides = array<i32>} : memref<2x2x24x196xf32, #tpu.memory_space<vmem>>, vector<16xf32>,
        %get3A_653 = arith.constant 0 : i32
        %get3A_654 = arith.constant 1 : i32
        %get3A_655 = arith.index_cast %get3A_653 : i32 to index
        %get3A_656 = arith.index_cast %get3A_654 : i32 to index
        %get3A_657 = arith.index_cast %add3A_561 : i32 to index
        %get3A_658 = arith.constant 96 : index
        %get3A_659 = tpu.vector_load %arg5[%get3A_655, %get3A_656, %get3A_657, %get3A_658] {strides = array<i32>} : memref<2x2x24x196xf32, #tpu.memory_space<vmem>>, vector<16xf32>,
        %mul3A_660 = arith.mulf %get3A_659, %gather3A : vector<16xf32>
        %swap3A_661 = arith.constant 0 : i32
        %swap3A_662 = arith.constant 1 : i32
        %swap3A_663 = arith.index_cast %swap3A_661 : i32 to index
        %swap3A_664 = arith.index_cast %swap3A_662 : i32 to index
        %swap3A_665 = arith.index_cast %add3A_561 : i32 to index
        %swap3A_666 = arith.constant 96 : index
        %swap3A_667 = tpu.vector_load %arg7[%swap3A_663, %swap3A_664, %swap3A_665, %swap3A_666] {strides = array<i32>} : memref<2x2x24x196xf32, #tpu.memory_space<vmem>>, vector<16xf32>,
        tpu.vector_store %arg7[%swap3A_663, %swap3A_664, %swap3A_665, %swap3A_666], %mul3A_660 {strides = array<i32>} : memref<2x2x24x196xf32, #tpu.memory_space<vmem>>, vector<16xf32>,
        %get3A_668 = arith.constant 0 : i32
        %get3A_669 = arith.constant 1 : i32
        %get3A_670 = arith.index_cast %get3A_668 : i32 to index
        %get3A_671 = arith.index_cast %get3A_669 : i32 to index
        %get3A_672 = arith.index_cast %add3A_561 : i32 to index
        %get3A_673 = arith.constant 112 : index
        %get3A_674 = tpu.vector_load %arg5[%get3A_670, %get3A_671, %get3A_672, %get3A_673] {strides = array<i32>} : memref<2x2x24x196xf32, #tpu.memory_space<vmem>>, vector<16xf32>,
        %mul3A_675 = arith.mulf %get3A_674, %gather3A : vector<16xf32>
        %swap3A_676 = arith.constant 0 : i32
        %swap3A_677 = arith.constant 1 : i32
        %swap3A_678 = arith.index_cast %swap3A_676 : i32 to index
        %swap3A_679 = arith.index_cast %swap3A_677 : i32 to index
        %swap3A_680 = arith.index_cast %add3A_561 : i32 to index
        %swap3A_681 = arith.constant 112 : index
        %swap3A_682 = tpu.vector_load %arg7[%swap3A_678, %swap3A_679, %swap3A_680, %swap3A_681] {strides = array<i32>} : memref<2x2x24x196xf32, #tpu.memory_space<vmem>>, vector<16xf32>,
        tpu.vector_store %arg7[%swap3A_678, %swap3A_679, %swap3A_680, %swap3A_681], %mul3A_675 {strides = array<i32>} : memref<2x2x24x196xf32, #tpu.memory_space<vmem>>, vector<16xf32>,
        %get3A_683 = arith.constant 0 : i32
        %get3A_684 = arith.constant 1 : i32
        %get3A_685 = arith.index_cast %get3A_683 : i32 to index
        %get3A_686 = arith.index_cast %get3A_684 : i32 to index
        %get3A_687 = arith.index_cast %add3A_561 : i32 to index
        %get3A_688 = arith.constant 128 : index
        %get3A_689 = tpu.vector_load %arg5[%get3A_685, %get3A_686, %get3A_687, %get3A_688] {strides = array<i32>} : memref<2x2x24x196xf32, #tpu.memory_space<vmem>>, vector<16xf32>,
        %mul3A_690 = arith.mulf %get3A_689, %gather3A : vector<16xf32>
        %swap3A_691 = arith.constant 0 : i32
        %swap3A_692 = arith.constant 1 : i32
        %swap3A_693 = arith.index_cast %swap3A_691 : i32 to index
        %swap3A_694 = arith.index_cast %swap3A_692 : i32 to index
        %swap3A_695 = arith.index_cast %add3A_561 : i32 to index
        %swap3A_696 = arith.constant 128 : index
        %swap3A_697 = tpu.vector_load %arg7[%swap3A_693, %swap3A_694, %swap3A_695, %swap3A_696] {strides = array<i32>} : memref<2x2x24x196xf32, #tpu.memory_space<vmem>>, vector<16xf32>,
        tpu.vector_store %arg7[%swap3A_693, %swap3A_694, %swap3A_695, %swap3A_696], %mul3A_690 {strides = array<i32>} : memref<2x2x24x196xf32, #tpu.memory_space<vmem>>, vector<16xf32>,
        %get3A_698 = arith.constant 0 : i32
        %get3A_699 = arith.constant 1 : i32
        %get3A_700 = arith.index_cast %get3A_698 : i32 to index
        %get3A_701 = arith.index_cast %get3A_699 : i32 to index
        %get3A_702 = arith.index_cast %add3A_561 : i32 to index
        %get3A_703 = arith.constant 144 : index
        %get3A_704 = tpu.vector_load %arg5[%get3A_700, %get3A_701, %get3A_702, %get3A_703] {strides = array<i32>} : memref<2x2x24x196xf32, #tpu.memory_space<vmem>>, vector<16xf32>,
        %mul3A_705 = arith.mulf %get3A_704, %gather3A : vector<16xf32>
        %swap3A_706 = arith.constant 0 : i32
        %swap3A_707 = arith.constant 1 : i32
        %swap3A_708 = arith.index_cast %swap3A_706 : i32 to index
        %swap3A_709 = arith.index_cast %swap3A_707 : i32 to index
        %swap3A_710 = arith.index_cast %add3A_561 : i32 to index
        %swap3A_711 = arith.constant 144 : index
        %swap3A_712 = tpu.vector_load %arg7[%swap3A_708, %swap3A_709, %swap3A_710, %swap3A_711] {strides = array<i32>} : memref<2x2x24x196xf32, #tpu.memory_space<vmem>>, vector<16xf32>,
        tpu.vector_store %arg7[%swap3A_708, %swap3A_709, %swap3A_710, %swap3A_711], %mul3A_705 {strides = array<i32>} : memref<2x2x24x196xf32, #tpu.memory_space<vmem>>, vector<16xf32>,
        %get3A_713 = arith.constant 0 : i32
        %get3A_714 = arith.constant 1 : i32
        %get3A_715 = arith.index_cast %get3A_713 : i32 to index
        %get3A_716 = arith.index_cast %get3A_714 : i32 to index
        %get3A_717 = arith.index_cast %add3A_561 : i32 to index
        %get3A_718 = arith.constant 160 : index
        %get3A_719 = tpu.vector_load %arg5[%get3A_715, %get3A_716, %get3A_717, %get3A_718] {strides = array<i32>} : memref<2x2x24x196xf32, #tpu.memory_space<vmem>>, vector<16xf32>,
        %mul3A_720 = arith.mulf %get3A_719, %gather3A : vector<16xf32>
        %swap3A_721 = arith.constant 0 : i32
        %swap3A_722 = arith.constant 1 : i32
        %swap3A_723 = arith.index_cast %swap3A_721 : i32 to index
        %swap3A_724 = arith.index_cast %swap3A_722 : i32 to index
        %swap3A_725 = arith.index_cast %add3A_561 : i32 to index
        %swap3A_726 = arith.constant 160 : index
        %swap3A_727 = tpu.vector_load %arg7[%swap3A_723, %swap3A_724, %swap3A_725, %swap3A_726] {strides = array<i32>} : memref<2x2x24x196xf32, #tpu.memory_space<vmem>>, vector<16xf32>,
        tpu.vector_store %arg7[%swap3A_723, %swap3A_724, %swap3A_725, %swap3A_726], %mul3A_720 {strides = array<i32>} : memref<2x2x24x196xf32, #tpu.memory_space<vmem>>, vector<16xf32>,
        %get3A_728 = arith.constant 0 : i32
        %get3A_729 = arith.constant 1 : i32
        %get3A_730 = arith.index_cast %get3A_728 : i32 to index
        %get3A_731 = arith.index_cast %get3A_729 : i32 to index
        %get3A_732 = arith.index_cast %add3A_561 : i32 to index
        %get3A_733 = arith.constant 176 : index
        %get3A_734 = tpu.vector_load %arg5[%get3A_730, %get3A_731, %get3A_732, %get3A_733] {strides = array<i32>} : memref<2x2x24x196xf32, #tpu.memory_space<vmem>>, vector<16xf32>,
        %mul3A_735 = arith.mulf %get3A_734, %gather3A : vector<16xf32>
        %swap3A_736 = arith.constant 0 : i32
        %swap3A_737 = arith.constant 1 : i32
        %swap3A_738 = arith.index_cast %swap3A_736 : i32 to index
        %swap3A_739 = arith.index_cast %swap3A_737 : i32 to index
        %swap3A_740 = arith.index_cast %add3A_561 : i32 to index
        %swap3A_741 = arith.constant 176 : index
        %swap3A_742 = tpu.vector_load %arg7[%swap3A_738, %swap3A_739, %swap3A_740, %swap3A_741] {strides = array<i32>} : memref<2x2x24x196xf32, #tpu.memory_space<vmem>>, vector<16xf32>,
        tpu.vector_store %arg7[%swap3A_738, %swap3A_739, %swap3A_740, %swap3A_741], %mul3A_735 {strides = array<i32>} : memref<2x2x24x196xf32, #tpu.memory_space<vmem>>, vector<16xf32>,
        %gather3A_743 = arith.constant 0 : i32
        %gather3A_744 = arith.constant 1 : i32
        %gather3A_745 = arith.constant 0 : i32
        %gather3A_746 = arith.constant 0 : i32
        %gather3A_747 = tpu.memref_slice %arg5[%gather3A_743, %gather3A_744, %gather3A_745, %gather3A_746] : memref<2x2x24x196xf32, #tpu.memory_space<vmem>> -> memref<1x1x24x196xf32, #tpu.memory_space<vmem>>
        %gather3A_748 = tpu.memref_squeeze %gather3A_747 : memref<1x1x24x196xf32, #tpu.memory_space<vmem>> -> memref<24x196xf32, #tpu.memory_space<vmem>>
        %gather3A_749 = tpu.vector_load_idx %gather3A_748[%broadcast_in_dim3A, %min3A_156] : memref<24x196xf32, #tpu.memory_space<vmem>>[vector<16xi32>, vector<16xi32>], vector<16xf32>,
        %mul3A_750 = arith.mulf %gather3A_749, %gather3A : vector<16xf32>
        %scatter3A = arith.constant 0 : i32
        %scatter3A_751 = arith.constant 1 : i32
        %scatter3A_752 = arith.constant 0 : i32
        %scatter3A_753 = arith.constant 0 : i32
        %scatter3A_754 = tpu.memref_slice %arg7[%scatter3A, %scatter3A_751, %scatter3A_752, %scatter3A_753] : memref<2x2x24x196xf32, #tpu.memory_space<vmem>> -> memref<1x1x24x196xf32, #tpu.memory_space<vmem>>
        %scatter3A_755 = tpu.memref_squeeze %scatter3A_754 : memref<1x1x24x196xf32, #tpu.memory_space<vmem>> -> memref<24x196xf32, #tpu.memory_space<vmem>>
        tpu.vector_store_idx %scatter3A_755[%broadcast_in_dim3A, %min3A_156], %mul3A_750 : memref<24x196xf32, #tpu.memory_space<vmem>>[vector<16xi32>, vector<16xi32>], vector<16xf32>,
      }
      %scan3A_307 = arith.constant 24 : i32
      %mul3A_308 = arith.constant 2 : i32
      %mul3A_309 = arith.muli %add3A_267, %mul3A_308 : i32
      %jit3A = arith.constant 16 : i32
      %div3A = arith.divsi %mul3A_309, %jit3A : i32
      %sign3A = arith.constant 0 : i32
      %sign3A_310 = arith.cmpi sgt, %mul3A_309, %sign3A : i32
      %sign3A_311 = arith.extui %sign3A_310 : i1 to i32
      %sign3A_312 = arith.constant 0 : i32
      %sign3A_313 = arith.cmpi slt, %mul3A_309, %sign3A_312 : i32
      %sign3A_314 = arith.extui %sign3A_313 : i1 to i32
      %sign3A_315 = arith.subi %sign3A_311, %sign3A_314 : i32
      %sign3A_316 = arith.constant 0 : i32
      %sign3A_317 = arith.cmpi sgt, %jit3A, %sign3A_316 : i32
      %sign3A_318 = arith.extui %sign3A_317 : i1 to i32
      %sign3A_319 = arith.constant 0 : i32
      %sign3A_320 = arith.cmpi slt, %jit3A, %sign3A_319 : i32
      %sign3A_321 = arith.extui %sign3A_320 : i1 to i32
      %sign3A_322 = arith.subi %sign3A_318, %sign3A_321 : i32
      %ne3A = arith.cmpi ne, %sign3A_315, %sign3A_322 : i32
      %rem3A_323 = arith.remsi %mul3A_309, %jit3A : i32
      %ne3A_324 = arith.constant 0 : i32
      %ne3A_325 = arith.cmpi ne, %rem3A_323, %ne3A_324 : i32
      %and3A = arith.andi %ne3A, %ne3A_325 : i1
      %sub3A = arith.constant 1 : i32
      %sub3A_326 = arith.subi %div3A, %sub3A : i32
      %select_n3A = arith.select %and3A, %sub3A_326, %div3A : i32
      %rem3A_327 = arith.constant 16 : i32
      %rem3A_328 = arith.remsi %mul3A_309, %rem3A_327 : i32
      %dma_start3A_329 = arith.constant 0 : i32
      %dma_start3A_330 = arith.constant 0 : i32
      %dma_start3A_331 = arith.constant 0 : i32
      %dma_start3A_332 = arith.constant 0 : i32
      %dma_start3A_333 = arith.constant 0 : i32
      %dma_start3A_334 = arith.constant 0 : i32
      %dma_start3A_335 = tpu.memref_slice %arg7[%dma_start3A_329, %dma_start3A_332, %dma_start3A_333, %dma_start3A_334] : memref<2x2x24x196xf32, #tpu.memory_space<vmem>> -> memref<1x2x24x196xf32, #tpu.memory_space<vmem>>
      %dma_start3A_336 = tpu.memref_squeeze %dma_start3A_335 : memref<1x2x24x196xf32, #tpu.memory_space<vmem>> -> memref<2x24x196xf32, #tpu.memory_space<vmem>>
      %dma_start3A_337 = arith.constant 0 : i32
      %dma_start3A_338 = tpu.memref_slice %arg4[%select_n3A, %dma_start3A_330, %rem3A_328, %mul3A_2, %dma_start3A_337] : memref<5x2x16x768x196xf32, #tpu.memory_space<hbm>> -> memref<1x1x2x24x196xf32, #tpu.memory_space<hbm>>
      %dma_start3A_339 = tpu.memref_squeeze %dma_start3A_338 : memref<1x1x2x24x196xf32, #tpu.memory_space<hbm>> -> memref<2x24x196xf32, #tpu.memory_space<hbm>>
      %dma_start3A_340 = tpu.memref_slice %arg10[%dma_start3A_331] : memref<2x!tpu.dma_semaphore, #tpu.memory_space<semaphore_mem>> -> memref<1x!tpu.dma_semaphore, #tpu.memory_space<semaphore_mem>>
      %dma_start3A_341 = tpu.memref_squeeze %dma_start3A_340 : memref<1x!tpu.dma_semaphore, #tpu.memory_space<semaphore_mem>> -> memref<!tpu.dma_semaphore, #tpu.memory_space<semaphore_mem>>
      %dma_start3A_342 = arith.constant 0 : i32
      %dma_start3A_343 = tpu.memref_slice %arg4[%select_n3A, %dma_start3A_330, %rem3A_328, %mul3A_2, %dma_start3A_342] : memref<5x2x16x768x196xf32, #tpu.memory_space<hbm>> -> memref<1x1x2x24x196xf32, #tpu.memory_space<hbm>>
      %dma_start3A_344 = tpu.memref_squeeze %dma_start3A_343 : memref<1x1x2x24x196xf32, #tpu.memory_space<hbm>> -> memref<2x24x196xf32, #tpu.memory_space<hbm>>
      %dma_start3A_345 = arith.constant 0 : i32
      %dma_start3A_346 = arith.constant 0 : i32
      %dma_start3A_347 = arith.constant 0 : i32
      %dma_start3A_348 = tpu.memref_slice %arg7[%dma_start3A_329, %dma_start3A_345, %dma_start3A_346, %dma_start3A_347] : memref<2x2x24x196xf32, #tpu.memory_space<vmem>> -> memref<1x2x24x196xf32, #tpu.memory_space<vmem>>
      %dma_start3A_349 = tpu.memref_squeeze %dma_start3A_348 : memref<1x2x24x196xf32, #tpu.memory_space<vmem>> -> memref<2x24x196xf32, #tpu.memory_space<vmem>>
      tpu.enqueue_dma source(%dma_start3A_349 : memref<2x24x196xf32, #tpu.memory_space<vmem>>) target(%dma_start3A_344 : memref<2x24x196xf32, #tpu.memory_space<hbm>>) target_semaphore(%dma_start3A_341 : memref<!tpu.dma_semaphore, #tpu.memory_space<semaphore_mem>>)
      %mul3A_350 = arith.constant 2 : i32
      %mul3A_351 = arith.muli %add3A_267, %mul3A_350 : i32
      %jit3A_352 = arith.constant 16 : i32
      %div3A_353 = arith.divsi %mul3A_351, %jit3A_352 : i32
      %sign3A_354 = arith.constant 0 : i32
      %sign3A_355 = arith.cmpi sgt, %mul3A_351, %sign3A_354 : i32
      %sign3A_356 = arith.extui %sign3A_355 : i1 to i32
      %sign3A_357 = arith.constant 0 : i32
      %sign3A_358 = arith.cmpi slt, %mul3A_351, %sign3A_357 : i32
      %sign3A_359 = arith.extui %sign3A_358 : i1 to i32
      %sign3A_360 = arith.subi %sign3A_356, %sign3A_359 : i32
      %sign3A_361 = arith.constant 0 : i32
      %sign3A_362 = arith.cmpi sgt, %jit3A_352, %sign3A_361 : i32
      %sign3A_363 = arith.extui %sign3A_362 : i1 to i32
      %sign3A_364 = arith.constant 0 : i32
      %sign3A_365 = arith.cmpi slt, %jit3A_352, %sign3A_364 : i32
      %sign3A_366 = arith.extui %sign3A_365 : i1 to i32
      %sign3A_367 = arith.subi %sign3A_363, %sign3A_366 : i32
      %ne3A_368 = arith.cmpi ne, %sign3A_360, %sign3A_367 : i32
      %rem3A_369 = arith.remsi %mul3A_351, %jit3A_352 : i32
      %ne3A_370 = arith.constant 0 : i32
      %ne3A_371 = arith.cmpi ne, %rem3A_369, %ne3A_370 : i32
      %and3A_372 = arith.andi %ne3A_368, %ne3A_371 : i1
      %sub3A_373 = arith.constant 1 : i32
      %sub3A_374 = arith.subi %div3A_353, %sub3A_373 : i32
      %select_n3A_375 = arith.select %and3A_372, %sub3A_374, %div3A_353 : i32
      %rem3A_376 = arith.constant 16 : i32
      %rem3A_377 = arith.remsi %mul3A_351, %rem3A_376 : i32
      %dma_start3A_378 = arith.constant 0 : i32
      %dma_start3A_379 = arith.constant 1 : i32
      %dma_start3A_380 = arith.constant 0 : i32
      %dma_start3A_381 = arith.constant 0 : i32
      %dma_start3A_382 = arith.constant 0 : i32
      %dma_start3A_383 = arith.constant 0 : i32
      %dma_start3A_384 = tpu.memref_slice %arg7[%dma_start3A_378, %dma_start3A_381, %dma_start3A_382, %dma_start3A_383] : memref<2x2x24x196xf32, #tpu.memory_space<vmem>> -> memref<1x2x24x196xf32, #tpu.memory_space<vmem>>
      %dma_start3A_385 = tpu.memref_squeeze %dma_start3A_384 : memref<1x2x24x196xf32, #tpu.memory_space<vmem>> -> memref<2x24x196xf32, #tpu.memory_space<vmem>>
      %dma_start3A_386 = arith.constant 0 : i32
      %dma_start3A_387 = tpu.memref_slice %arg4[%select_n3A_375, %dma_start3A_379, %rem3A_377, %mul3A_2, %dma_start3A_386] : memref<5x2x16x768x196xf32, #tpu.memory_space<hbm>> -> memref<1x1x2x24x196xf32, #tpu.memory_space<hbm>>
      %dma_start3A_388 = tpu.memref_squeeze %dma_start3A_387 : memref<1x1x2x24x196xf32, #tpu.memory_space<hbm>> -> memref<2x24x196xf32, #tpu.memory_space<hbm>>
      %dma_start3A_389 = tpu.memref_slice %arg10[%dma_start3A_380] : memref<2x!tpu.dma_semaphore, #tpu.memory_space<semaphore_mem>> -> memref<1x!tpu.dma_semaphore, #tpu.memory_space<semaphore_mem>>
      %dma_start3A_390 = tpu.memref_squeeze %dma_start3A_389 : memref<1x!tpu.dma_semaphore, #tpu.memory_space<semaphore_mem>> -> memref<!tpu.dma_semaphore, #tpu.memory_space<semaphore_mem>>
      %dma_start3A_391 = arith.constant 0 : i32
      %dma_start3A_392 = tpu.memref_slice %arg4[%select_n3A_375, %dma_start3A_379, %rem3A_377, %mul3A_2, %dma_start3A_391] : memref<5x2x16x768x196xf32, #tpu.memory_space<hbm>> -> memref<1x1x2x24x196xf32, #tpu.memory_space<hbm>>
      %dma_start3A_393 = tpu.memref_squeeze %dma_start3A_392 : memref<1x1x2x24x196xf32, #tpu.memory_space<hbm>> -> memref<2x24x196xf32, #tpu.memory_space<hbm>>
      %dma_start3A_394 = arith.constant 0 : i32
      %dma_start3A_395 = arith.constant 0 : i32
      %dma_start3A_396 = arith.constant 0 : i32
      %dma_start3A_397 = tpu.memref_slice %arg7[%dma_start3A_378, %dma_start3A_394, %dma_start3A_395, %dma_start3A_396] : memref<2x2x24x196xf32, #tpu.memory_space<vmem>> -> memref<1x2x24x196xf32, #tpu.memory_space<vmem>>
      %dma_start3A_398 = tpu.memref_squeeze %dma_start3A_397 : memref<1x2x24x196xf32, #tpu.memory_space<vmem>> -> memref<2x24x196xf32, #tpu.memory_space<vmem>>
      tpu.enqueue_dma source(%dma_start3A_398 : memref<2x24x196xf32, #tpu.memory_space<vmem>>) target(%dma_start3A_393 : memref<2x24x196xf32, #tpu.memory_space<hbm>>) target_semaphore(%dma_start3A_390 : memref<!tpu.dma_semaphore, #tpu.memory_space<semaphore_mem>>)
      %add3A_399 = arith.constant 2 : i32
      %add3A_400 = arith.addi %add3A_267, %add3A_399 : i32
      %lt3A = arith.constant 40 : i32
      %lt3A_401 = arith.cmpi slt, %add3A_400, %lt3A : i32
      %convert_element_type3A_402 = arith.extui %lt3A_401 : i1 to i32
      %cond3A_403 = arith.constant 0 : i32
      %cond3A_404 = arith.cmpi ne, %convert_element_type3A_402, %cond3A_403 : i32
      scf.if %cond3A_404 {
        %add3A_557 = arith.constant 2 : i32
        %add3A_558 = arith.addi %add3A_267, %add3A_557 : i32
        %mul3A_559 = arith.constant 2 : i32
        %mul3A_560 = arith.muli %add3A_558, %mul3A_559 : i32
        %dma_start3A_561 = arith.constant 0 : i32
        %dma_start3A_562 = arith.constant 0 : i32
        %dma_start3A_563 = arith.constant 0 : i32
        %dma_start3A_564 = arith.constant 0 : i32
        %dma_start3A_565 = arith.constant 0 : i32
        %dma_start3A_566 = tpu.memref_slice %arg5[%dma_start3A_561, %dma_start3A_563, %dma_start3A_564, %dma_start3A_565] : memref<2x2x24x196xf32, #tpu.memory_space<vmem>> -> memref<1x2x24x196xf32, #tpu.memory_space<vmem>>
        %dma_start3A_567 = tpu.memref_squeeze %dma_start3A_566 : memref<1x2x24x196xf32, #tpu.memory_space<vmem>> -> memref<2x24x196xf32, #tpu.memory_space<vmem>>
        %dma_start3A_568 = arith.constant 0 : i32
        %dma_start3A_569 = tpu.memref_slice %arg2[%mul3A_560, %mul3A_2, %dma_start3A_568] : memref<80x768x196xf32, #tpu.memory_space<hbm>> -> memref<2x24x196xf32, #tpu.memory_space<hbm>>
        %dma_start3A_570 = tpu.memref_slice %arg9[%dma_start3A_562] : memref<2x!tpu.dma_semaphore, #tpu.memory_space<semaphore_mem>> -> memref<1x!tpu.dma_semaphore, #tpu.memory_space<semaphore_mem>>
        %dma_start3A_571 = tpu.memref_squeeze %dma_start3A_570 : memref<1x!tpu.dma_semaphore, #tpu.memory_space<semaphore_mem>> -> memref<!tpu.dma_semaphore, #tpu.memory_space<semaphore_mem>>
        %dma_start3A_572 = arith.constant 0 : i32
        %dma_start3A_573 = arith.constant 0 : i32
        %dma_start3A_574 = arith.constant 0 : i32
        %dma_start3A_575 = tpu.memref_slice %arg5[%dma_start3A_561, %dma_start3A_572, %dma_start3A_573, %dma_start3A_574] : memref<2x2x24x196xf32, #tpu.memory_space<vmem>> -> memref<1x2x24x196xf32, #tpu.memory_space<vmem>>
        %dma_start3A_576 = tpu.memref_squeeze %dma_start3A_575 : memref<1x2x24x196xf32, #tpu.memory_space<vmem>> -> memref<2x24x196xf32, #tpu.memory_space<vmem>>
        %dma_start3A_577 = arith.constant 0 : i32
        %dma_start3A_578 = tpu.memref_slice %arg2[%mul3A_560, %mul3A_2, %dma_start3A_577] : memref<80x768x196xf32, #tpu.memory_space<hbm>> -> memref<2x24x196xf32, #tpu.memory_space<hbm>>
        tpu.enqueue_dma source(%dma_start3A_578 : memref<2x24x196xf32, #tpu.memory_space<hbm>>) target(%dma_start3A_576 : memref<2x24x196xf32, #tpu.memory_space<vmem>>) target_semaphore(%dma_start3A_571 : memref<!tpu.dma_semaphore, #tpu.memory_space<semaphore_mem>>)
      } else {
      }
      %mul3A_405 = arith.constant 2 : i32
      %mul3A_406 = arith.muli %add3A_263, %mul3A_405 : i32
      %add3A_407 = arith.constant 1 : i32
      %add3A_408 = arith.addi %mul3A_406, %add3A_407 : i32
      %mul3A_409 = arith.constant 2 : i32
      %mul3A_410 = arith.muli %add3A_408, %mul3A_409 : i32
      %dma_wait3A_411 = arith.constant 1 : i32
      %dma_wait3A_412 = arith.constant 1 : i32
      %dma_wait3A_413 = arith.constant 0 : i32
      %dma_wait3A_414 = arith.constant 0 : i32
      %dma_wait3A_415 = arith.constant 0 : i32
      %dma_wait3A_416 = tpu.memref_slice %arg5[%dma_wait3A_411, %dma_wait3A_413, %dma_wait3A_414, %dma_wait3A_415] : memref<2x2x24x196xf32, #tpu.memory_space<vmem>> -> memref<1x2x24x196xf32, #tpu.memory_space<vmem>>
      %dma_wait3A_417 = tpu.memref_squeeze %dma_wait3A_416 : memref<1x2x24x196xf32, #tpu.memory_space<vmem>> -> memref<2x24x196xf32, #tpu.memory_space<vmem>>
      %dma_wait3A_418 = arith.constant 0 : i32
      %dma_wait3A_419 = tpu.memref_slice %arg2[%mul3A_410, %mul3A_2, %dma_wait3A_418] : memref<80x768x196xf32, #tpu.memory_space<hbm>> -> memref<2x24x196xf32, #tpu.memory_space<hbm>>
      %dma_wait3A_420 = tpu.memref_slice %arg9[%dma_wait3A_412] : memref<2x!tpu.dma_semaphore, #tpu.memory_space<semaphore_mem>> -> memref<1x!tpu.dma_semaphore, #tpu.memory_space<semaphore_mem>>
      %dma_wait3A_421 = tpu.memref_squeeze %dma_wait3A_420 : memref<1x!tpu.dma_semaphore, #tpu.memory_space<semaphore_mem>> -> memref<!tpu.dma_semaphore, #tpu.memory_space<semaphore_mem>>
      %dma_wait3A_422 = arith.constant 0 : i32
      %dma_wait3A_423 = arith.constant 0 : i32
      %dma_wait3A_424 = arith.constant 0 : i32
      %dma_wait3A_425 = tpu.memref_slice %arg5[%dma_wait3A_411, %dma_wait3A_422, %dma_wait3A_423, %dma_wait3A_424] : memref<2x2x24x196xf32, #tpu.memory_space<vmem>> -> memref<1x2x24x196xf32, #tpu.memory_space<vmem>>
      %dma_wait3A_426 = tpu.memref_squeeze %dma_wait3A_425 : memref<1x2x24x196xf32, #tpu.memory_space<vmem>> -> memref<2x24x196xf32, #tpu.memory_space<vmem>>
      %dma_wait3A_427 = arith.constant 0 : i32
      %dma_wait3A_428 = tpu.memref_slice %arg2[%mul3A_410, %mul3A_2, %dma_wait3A_427] : memref<80x768x196xf32, #tpu.memory_space<hbm>> -> memref<2x24x196xf32, #tpu.memory_space<hbm>>
      tpu.wait_dma2 semaphore(%dma_wait3A_421 : memref<!tpu.dma_semaphore, #tpu.memory_space<semaphore_mem>>) src(%dma_wait3A_428 : memref<2x24x196xf32, #tpu.memory_space<hbm>>) dst(%dma_wait3A_426 : memref<2x24x196xf32, #tpu.memory_space<vmem>>)
      %ge3A_429 = arith.constant 2 : i32
      %ge3A_430 = arith.cmpi sge, %add3A_408, %ge3A_429 : i32
      %convert_element_type3A_431 = arith.extui %ge3A_430 : i1 to i32
      %cond3A_432 = arith.constant 0 : i32
      %cond3A_433 = arith.cmpi ne, %convert_element_type3A_431, %cond3A_432 : i32
      scf.if %cond3A_433 {
        %sub3A_557 = arith.constant 2 : i32
        %sub3A_558 = arith.subi %add3A_408, %sub3A_557 : i32
        %mul3A_559 = arith.constant 2 : i32
        %mul3A_560 = arith.muli %sub3A_558, %mul3A_559 : i32
        %jit3A_561 = arith.constant 16 : i32
        %div3A_562 = arith.divsi %mul3A_560, %jit3A_561 : i32
        %sign3A_563 = arith.constant 0 : i32
        %sign3A_564 = arith.cmpi sgt, %mul3A_560, %sign3A_563 : i32
        %sign3A_565 = arith.extui %sign3A_564 : i1 to i32
        %sign3A_566 = arith.constant 0 : i32
        %sign3A_567 = arith.cmpi slt, %mul3A_560, %sign3A_566 : i32
        %sign3A_568 = arith.extui %sign3A_567 : i1 to i32
        %sign3A_569 = arith.subi %sign3A_565, %sign3A_568 : i32
        %sign3A_570 = arith.constant 0 : i32
        %sign3A_571 = arith.cmpi sgt, %jit3A_561, %sign3A_570 : i32
        %sign3A_572 = arith.extui %sign3A_571 : i1 to i32
        %sign3A_573 = arith.constant 0 : i32
        %sign3A_574 = arith.cmpi slt, %jit3A_561, %sign3A_573 : i32
        %sign3A_575 = arith.extui %sign3A_574 : i1 to i32
        %sign3A_576 = arith.subi %sign3A_572, %sign3A_575 : i32
        %ne3A_577 = arith.cmpi ne, %sign3A_569, %sign3A_576 : i32
        %rem3A_578 = arith.remsi %mul3A_560, %jit3A_561 : i32
        %ne3A_579 = arith.constant 0 : i32
        %ne3A_580 = arith.cmpi ne, %rem3A_578, %ne3A_579 : i32
        %and3A_581 = arith.andi %ne3A_577, %ne3A_580 : i1
        %sub3A_582 = arith.constant 1 : i32
        %sub3A_583 = arith.subi %div3A_562, %sub3A_582 : i32
        %select_n3A_584 = arith.select %and3A_581, %sub3A_583, %div3A_562 : i32
        %rem3A_585 = arith.constant 16 : i32
        %rem3A_586 = arith.remsi %mul3A_560, %rem3A_585 : i32
        %dma_wait3A_587 = arith.constant 1 : i32
        %dma_wait3A_588 = arith.constant 0 : i32
        %dma_wait3A_589 = arith.constant 1 : i32
        %dma_wait3A_590 = arith.constant 0 : i32
        %dma_wait3A_591 = arith.constant 0 : i32
        %dma_wait3A_592 = arith.constant 0 : i32
        %dma_wait3A_593 = tpu.memref_slice %arg7[%dma_wait3A_587, %dma_wait3A_590, %dma_wait3A_591, %dma_wait3A_592] : memref<2x2x24x196xf32, #tpu.memory_space<vmem>> -> memref<1x2x24x196xf32, #tpu.memory_space<vmem>>
        %dma_wait3A_594 = tpu.memref_squeeze %dma_wait3A_593 : memref<1x2x24x196xf32, #tpu.memory_space<vmem>> -> memref<2x24x196xf32, #tpu.memory_space<vmem>>
        %dma_wait3A_595 = arith.constant 0 : i32
        %dma_wait3A_596 = tpu.memref_slice %arg4[%select_n3A_584, %dma_wait3A_588, %rem3A_586, %mul3A_2, %dma_wait3A_595] : memref<5x2x16x768x196xf32, #tpu.memory_space<hbm>> -> memref<1x1x2x24x196xf32, #tpu.memory_space<hbm>>
        %dma_wait3A_597 = tpu.memref_squeeze %dma_wait3A_596 : memref<1x1x2x24x196xf32, #tpu.memory_space<hbm>> -> memref<2x24x196xf32, #tpu.memory_space<hbm>>
        %dma_wait3A_598 = tpu.memref_slice %arg10[%dma_wait3A_589] : memref<2x!tpu.dma_semaphore, #tpu.memory_space<semaphore_mem>> -> memref<1x!tpu.dma_semaphore, #tpu.memory_space<semaphore_mem>>
        %dma_wait3A_599 = tpu.memref_squeeze %dma_wait3A_598 : memref<1x!tpu.dma_semaphore, #tpu.memory_space<semaphore_mem>> -> memref<!tpu.dma_semaphore, #tpu.memory_space<semaphore_mem>>
        %dma_wait3A_600 = arith.constant 0 : i32
        %dma_wait3A_601 = tpu.memref_slice %arg4[%select_n3A_584, %dma_wait3A_588, %rem3A_586, %mul3A_2, %dma_wait3A_600] : memref<5x2x16x768x196xf32, #tpu.memory_space<hbm>> -> memref<1x1x2x24x196xf32, #tpu.memory_space<hbm>>
        %dma_wait3A_602 = tpu.memref_squeeze %dma_wait3A_601 : memref<1x1x2x24x196xf32, #tpu.memory_space<hbm>> -> memref<2x24x196xf32, #tpu.memory_space<hbm>>
        %dma_wait3A_603 = arith.constant 0 : i32
        %dma_wait3A_604 = arith.constant 0 : i32
        %dma_wait3A_605 = arith.constant 0 : i32
        %dma_wait3A_606 = tpu.memref_slice %arg7[%dma_wait3A_587, %dma_wait3A_603, %dma_wait3A_604, %dma_wait3A_605] : memref<2x2x24x196xf32, #tpu.memory_space<vmem>> -> memref<1x2x24x196xf32, #tpu.memory_space<vmem>>
        %dma_wait3A_607 = tpu.memref_squeeze %dma_wait3A_606 : memref<1x2x24x196xf32, #tpu.memory_space<vmem>> -> memref<2x24x196xf32, #tpu.memory_space<vmem>>
        tpu.wait_dma2 semaphore(%dma_wait3A_599 : memref<!tpu.dma_semaphore, #tpu.memory_space<semaphore_mem>>) src(%dma_wait3A_607 : memref<2x24x196xf32, #tpu.memory_space<vmem>>) dst(%dma_wait3A_602 : memref<2x24x196xf32, #tpu.memory_space<hbm>>)
        %sub3A_608 = arith.constant 2 : i32
        %sub3A_609 = arith.subi %add3A_408, %sub3A_608 : i32
        %mul3A_610 = arith.constant 2 : i32
        %mul3A_611 = arith.muli %sub3A_609, %mul3A_610 : i32
        %jit3A_612 = arith.constant 16 : i32
        %div3A_613 = arith.divsi %mul3A_611, %jit3A_612 : i32
        %sign3A_614 = arith.constant 0 : i32
        %sign3A_615 = arith.cmpi sgt, %mul3A_611, %sign3A_614 : i32
        %sign3A_616 = arith.extui %sign3A_615 : i1 to i32
        %sign3A_617 = arith.constant 0 : i32
        %sign3A_618 = arith.cmpi slt, %mul3A_611, %sign3A_617 : i32
        %sign3A_619 = arith.extui %sign3A_618 : i1 to i32
        %sign3A_620 = arith.subi %sign3A_616, %sign3A_619 : i32
        %sign3A_621 = arith.constant 0 : i32
        %sign3A_622 = arith.cmpi sgt, %jit3A_612, %sign3A_621 : i32
        %sign3A_623 = arith.extui %sign3A_622 : i1 to i32
        %sign3A_624 = arith.constant 0 : i32
        %sign3A_625 = arith.cmpi slt, %jit3A_612, %sign3A_624 : i32
        %sign3A_626 = arith.extui %sign3A_625 : i1 to i32
        %sign3A_627 = arith.subi %sign3A_623, %sign3A_626 : i32
        %ne3A_628 = arith.cmpi ne, %sign3A_620, %sign3A_627 : i32
        %rem3A_629 = arith.remsi %mul3A_611, %jit3A_612 : i32
        %ne3A_630 = arith.constant 0 : i32
        %ne3A_631 = arith.cmpi ne, %rem3A_629, %ne3A_630 : i32
        %and3A_632 = arith.andi %ne3A_628, %ne3A_631 : i1
        %sub3A_633 = arith.constant 1 : i32
        %sub3A_634 = arith.subi %div3A_613, %sub3A_633 : i32
        %select_n3A_635 = arith.select %and3A_632, %sub3A_634, %div3A_613 : i32
        %rem3A_636 = arith.constant 16 : i32
        %rem3A_637 = arith.remsi %mul3A_611, %rem3A_636 : i32
        %dma_wait3A_638 = arith.constant 1 : i32
        %dma_wait3A_639 = arith.constant 1 : i32
        %dma_wait3A_640 = arith.constant 1 : i32
        %dma_wait3A_641 = arith.constant 0 : i32
        %dma_wait3A_642 = arith.constant 0 : i32
        %dma_wait3A_643 = arith.constant 0 : i32
        %dma_wait3A_644 = tpu.memref_slice %arg7[%dma_wait3A_638, %dma_wait3A_641, %dma_wait3A_642, %dma_wait3A_643] : memref<2x2x24x196xf32, #tpu.memory_space<vmem>> -> memref<1x2x24x196xf32, #tpu.memory_space<vmem>>
        %dma_wait3A_645 = tpu.memref_squeeze %dma_wait3A_644 : memref<1x2x24x196xf32, #tpu.memory_space<vmem>> -> memref<2x24x196xf32, #tpu.memory_space<vmem>>
        %dma_wait3A_646 = arith.constant 0 : i32
        %dma_wait3A_647 = tpu.memref_slice %arg4[%select_n3A_635, %dma_wait3A_639, %rem3A_637, %mul3A_2, %dma_wait3A_646] : memref<5x2x16x768x196xf32, #tpu.memory_space<hbm>> -> memref<1x1x2x24x196xf32, #tpu.memory_space<hbm>>
        %dma_wait3A_648 = tpu.memref_squeeze %dma_wait3A_647 : memref<1x1x2x24x196xf32, #tpu.memory_space<hbm>> -> memref<2x24x196xf32, #tpu.memory_space<hbm>>
        %dma_wait3A_649 = tpu.memref_slice %arg10[%dma_wait3A_640] : memref<2x!tpu.dma_semaphore, #tpu.memory_space<semaphore_mem>> -> memref<1x!tpu.dma_semaphore, #tpu.memory_space<semaphore_mem>>
        %dma_wait3A_650 = tpu.memref_squeeze %dma_wait3A_649 : memref<1x!tpu.dma_semaphore, #tpu.memory_space<semaphore_mem>> -> memref<!tpu.dma_semaphore, #tpu.memory_space<semaphore_mem>>
        %dma_wait3A_651 = arith.constant 0 : i32
        %dma_wait3A_652 = tpu.memref_slice %arg4[%select_n3A_635, %dma_wait3A_639, %rem3A_637, %mul3A_2, %dma_wait3A_651] : memref<5x2x16x768x196xf32, #tpu.memory_space<hbm>> -> memref<1x1x2x24x196xf32, #tpu.memory_space<hbm>>
        %dma_wait3A_653 = tpu.memref_squeeze %dma_wait3A_652 : memref<1x1x2x24x196xf32, #tpu.memory_space<hbm>> -> memref<2x24x196xf32, #tpu.memory_space<hbm>>
        %dma_wait3A_654 = arith.constant 0 : i32
        %dma_wait3A_655 = arith.constant 0 : i32
        %dma_wait3A_656 = arith.constant 0 : i32
        %dma_wait3A_657 = tpu.memref_slice %arg7[%dma_wait3A_638, %dma_wait3A_654, %dma_wait3A_655, %dma_wait3A_656] : memref<2x2x24x196xf32, #tpu.memory_space<vmem>> -> memref<1x2x24x196xf32, #tpu.memory_space<vmem>>
        %dma_wait3A_658 = tpu.memref_squeeze %dma_wait3A_657 : memref<1x2x24x196xf32, #tpu.memory_space<vmem>> -> memref<2x24x196xf32, #tpu.memory_space<vmem>>
        tpu.wait_dma2 semaphore(%dma_wait3A_650 : memref<!tpu.dma_semaphore, #tpu.memory_space<semaphore_mem>>) src(%dma_wait3A_658 : memref<2x24x196xf32, #tpu.memory_space<vmem>>) dst(%dma_wait3A_653 : memref<2x24x196xf32, #tpu.memory_space<hbm>>)
      } else {
      }
      %mul3A_434 = arith.constant 2 : i32
      %mul3A_435 = arith.muli %add3A_408, %mul3A_434 : i32
      %add3A_436 = arith.constant 0 : i32
      %add3A_437 = arith.addi %mul3A_435, %add3A_436 : i32
      %scan3A_438 = arith.constant 0 : i32
      %scan3A_439 = arith.constant 24 : i32
      %scan3A_440 = arith.addi %scan3A_438, %scan3A_439 : i32
      %scan3A_441 = arith.constant 1 : i32
      scf.for %scan3A_557 = %scan3A_438 to %scan3A_440 step %scan3A_441  : i32 {
        %mul3A_558 = arith.constant 1 : i32
        %mul3A_559 = arith.muli %scan3A_557, %mul3A_558 : i32
        %add3A_560 = arith.constant 0 : i32
        %add3A_561 = arith.addi %add3A_560, %mul3A_559 : i32
        %broadcast_in_dim3A = vector.broadcast %add3A_561 : i32 to vector<16xi32>
        %broadcast_in_dim3A_562 = vector.broadcast %add3A_437 : i32 to vector<16xi32>
        %add3A_563 = arith.addi %mul3A_2, %add3A_561 : i32
        %broadcast_in_dim3A_564 = vector.broadcast %add3A_563 : i32 to vector<16xi32>
        %gather3A = tpu.vector_load_idx %arg6[%broadcast_in_dim3A_562, %broadcast_in_dim3A_564] : memref<80x768xf32, #tpu.memory_space<vmem>>[vector<16xi32>, vector<16xi32>], vector<16xf32>,
        %get3A = arith.constant 1 : i32
        %get3A_565 = arith.constant 0 : i32
        %get3A_566 = arith.index_cast %get3A : i32 to index
        %get3A_567 = arith.index_cast %get3A_565 : i32 to index
        %get3A_568 = arith.index_cast %add3A_561 : i32 to index
        %get3A_569 = arith.constant 0 : index
        %get3A_570 = tpu.vector_load %arg5[%get3A_566, %get3A_567, %get3A_568, %get3A_569] {strides = array<i32>} : memref<2x2x24x196xf32, #tpu.memory_space<vmem>>, vector<16xf32>,
        %mul3A_571 = arith.mulf %get3A_570, %gather3A : vector<16xf32>
        %swap3A = arith.constant 1 : i32
        %swap3A_572 = arith.constant 0 : i32
        %swap3A_573 = arith.index_cast %swap3A : i32 to index
        %swap3A_574 = arith.index_cast %swap3A_572 : i32 to index
        %swap3A_575 = arith.index_cast %add3A_561 : i32 to index
        %swap3A_576 = arith.constant 0 : index
        %swap3A_577 = tpu.vector_load %arg7[%swap3A_573, %swap3A_574, %swap3A_575, %swap3A_576] {strides = array<i32>} : memref<2x2x24x196xf32, #tpu.memory_space<vmem>>, vector<16xf32>,
        tpu.vector_store %arg7[%swap3A_573, %swap3A_574, %swap3A_575, %swap3A_576], %mul3A_571 {strides = array<i32>} : memref<2x2x24x196xf32, #tpu.memory_space<vmem>>, vector<16xf32>,
        %get3A_578 = arith.constant 1 : i32
        %get3A_579 = arith.constant 0 : i32
        %get3A_580 = arith.index_cast %get3A_578 : i32 to index
        %get3A_581 = arith.index_cast %get3A_579 : i32 to index
        %get3A_582 = arith.index_cast %add3A_561 : i32 to index
        %get3A_583 = arith.constant 16 : index
        %get3A_584 = tpu.vector_load %arg5[%get3A_580, %get3A_581, %get3A_582, %get3A_583] {strides = array<i32>} : memref<2x2x24x196xf32, #tpu.memory_space<vmem>>, vector<16xf32>,
        %mul3A_585 = arith.mulf %get3A_584, %gather3A : vector<16xf32>
        %swap3A_586 = arith.constant 1 : i32
        %swap3A_587 = arith.constant 0 : i32
        %swap3A_588 = arith.index_cast %swap3A_586 : i32 to index
        %swap3A_589 = arith.index_cast %swap3A_587 : i32 to index
        %swap3A_590 = arith.index_cast %add3A_561 : i32 to index
        %swap3A_591 = arith.constant 16 : index
        %swap3A_592 = tpu.vector_load %arg7[%swap3A_588, %swap3A_589, %swap3A_590, %swap3A_591] {strides = array<i32>} : memref<2x2x24x196xf32, #tpu.memory_space<vmem>>, vector<16xf32>,
        tpu.vector_store %arg7[%swap3A_588, %swap3A_589, %swap3A_590, %swap3A_591], %mul3A_585 {strides = array<i32>} : memref<2x2x24x196xf32, #tpu.memory_space<vmem>>, vector<16xf32>,
        %get3A_593 = arith.constant 1 : i32
        %get3A_594 = arith.constant 0 : i32
        %get3A_595 = arith.index_cast %get3A_593 : i32 to index
        %get3A_596 = arith.index_cast %get3A_594 : i32 to index
        %get3A_597 = arith.index_cast %add3A_561 : i32 to index
        %get3A_598 = arith.constant 32 : index
        %get3A_599 = tpu.vector_load %arg5[%get3A_595, %get3A_596, %get3A_597, %get3A_598] {strides = array<i32>} : memref<2x2x24x196xf32, #tpu.memory_space<vmem>>, vector<16xf32>,
        %mul3A_600 = arith.mulf %get3A_599, %gather3A : vector<16xf32>
        %swap3A_601 = arith.constant 1 : i32
        %swap3A_602 = arith.constant 0 : i32
        %swap3A_603 = arith.index_cast %swap3A_601 : i32 to index
        %swap3A_604 = arith.index_cast %swap3A_602 : i32 to index
        %swap3A_605 = arith.index_cast %add3A_561 : i32 to index
        %swap3A_606 = arith.constant 32 : index
        %swap3A_607 = tpu.vector_load %arg7[%swap3A_603, %swap3A_604, %swap3A_605, %swap3A_606] {strides = array<i32>} : memref<2x2x24x196xf32, #tpu.memory_space<vmem>>, vector<16xf32>,
        tpu.vector_store %arg7[%swap3A_603, %swap3A_604, %swap3A_605, %swap3A_606], %mul3A_600 {strides = array<i32>} : memref<2x2x24x196xf32, #tpu.memory_space<vmem>>, vector<16xf32>,
        %get3A_608 = arith.constant 1 : i32
        %get3A_609 = arith.constant 0 : i32
        %get3A_610 = arith.index_cast %get3A_608 : i32 to index
        %get3A_611 = arith.index_cast %get3A_609 : i32 to index
        %get3A_612 = arith.index_cast %add3A_561 : i32 to index
        %get3A_613 = arith.constant 48 : index
        %get3A_614 = tpu.vector_load %arg5[%get3A_610, %get3A_611, %get3A_612, %get3A_613] {strides = array<i32>} : memref<2x2x24x196xf32, #tpu.memory_space<vmem>>, vector<16xf32>,
        %mul3A_615 = arith.mulf %get3A_614, %gather3A : vector<16xf32>
        %swap3A_616 = arith.constant 1 : i32
        %swap3A_617 = arith.constant 0 : i32
        %swap3A_618 = arith.index_cast %swap3A_616 : i32 to index
        %swap3A_619 = arith.index_cast %swap3A_617 : i32 to index
        %swap3A_620 = arith.index_cast %add3A_561 : i32 to index
        %swap3A_621 = arith.constant 48 : index
        %swap3A_622 = tpu.vector_load %arg7[%swap3A_618, %swap3A_619, %swap3A_620, %swap3A_621] {strides = array<i32>} : memref<2x2x24x196xf32, #tpu.memory_space<vmem>>, vector<16xf32>,
        tpu.vector_store %arg7[%swap3A_618, %swap3A_619, %swap3A_620, %swap3A_621], %mul3A_615 {strides = array<i32>} : memref<2x2x24x196xf32, #tpu.memory_space<vmem>>, vector<16xf32>,
        %get3A_623 = arith.constant 1 : i32
        %get3A_624 = arith.constant 0 : i32
        %get3A_625 = arith.index_cast %get3A_623 : i32 to index
        %get3A_626 = arith.index_cast %get3A_624 : i32 to index
        %get3A_627 = arith.index_cast %add3A_561 : i32 to index
        %get3A_628 = arith.constant 64 : index
        %get3A_629 = tpu.vector_load %arg5[%get3A_625, %get3A_626, %get3A_627, %get3A_628] {strides = array<i32>} : memref<2x2x24x196xf32, #tpu.memory_space<vmem>>, vector<16xf32>,
        %mul3A_630 = arith.mulf %get3A_629, %gather3A : vector<16xf32>
        %swap3A_631 = arith.constant 1 : i32
        %swap3A_632 = arith.constant 0 : i32
        %swap3A_633 = arith.index_cast %swap3A_631 : i32 to index
        %swap3A_634 = arith.index_cast %swap3A_632 : i32 to index
        %swap3A_635 = arith.index_cast %add3A_561 : i32 to index
        %swap3A_636 = arith.constant 64 : index
        %swap3A_637 = tpu.vector_load %arg7[%swap3A_633, %swap3A_634, %swap3A_635, %swap3A_636] {strides = array<i32>} : memref<2x2x24x196xf32, #tpu.memory_space<vmem>>, vector<16xf32>,
        tpu.vector_store %arg7[%swap3A_633, %swap3A_634, %swap3A_635, %swap3A_636], %mul3A_630 {strides = array<i32>} : memref<2x2x24x196xf32, #tpu.memory_space<vmem>>, vector<16xf32>,
        %get3A_638 = arith.constant 1 : i32
        %get3A_639 = arith.constant 0 : i32
        %get3A_640 = arith.index_cast %get3A_638 : i32 to index
        %get3A_641 = arith.index_cast %get3A_639 : i32 to index
        %get3A_642 = arith.index_cast %add3A_561 : i32 to index
        %get3A_643 = arith.constant 80 : index
        %get3A_644 = tpu.vector_load %arg5[%get3A_640, %get3A_641, %get3A_642, %get3A_643] {strides = array<i32>} : memref<2x2x24x196xf32, #tpu.memory_space<vmem>>, vector<16xf32>,
        %mul3A_645 = arith.mulf %get3A_644, %gather3A : vector<16xf32>
        %swap3A_646 = arith.constant 1 : i32
        %swap3A_647 = arith.constant 0 : i32
        %swap3A_648 = arith.index_cast %swap3A_646 : i32 to index
        %swap3A_649 = arith.index_cast %swap3A_647 : i32 to index
        %swap3A_650 = arith.index_cast %add3A_561 : i32 to index
        %swap3A_651 = arith.constant 80 : index
        %swap3A_652 = tpu.vector_load %arg7[%swap3A_648, %swap3A_649, %swap3A_650, %swap3A_651] {strides = array<i32>} : memref<2x2x24x196xf32, #tpu.memory_space<vmem>>, vector<16xf32>,
        tpu.vector_store %arg7[%swap3A_648, %swap3A_649, %swap3A_650, %swap3A_651], %mul3A_645 {strides = array<i32>} : memref<2x2x24x196xf32, #tpu.memory_space<vmem>>, vector<16xf32>,
        %get3A_653 = arith.constant 1 : i32
        %get3A_654 = arith.constant 0 : i32
        %get3A_655 = arith.index_cast %get3A_653 : i32 to index
        %get3A_656 = arith.index_cast %get3A_654 : i32 to index
        %get3A_657 = arith.index_cast %add3A_561 : i32 to index
        %get3A_658 = arith.constant 96 : index
        %get3A_659 = tpu.vector_load %arg5[%get3A_655, %get3A_656, %get3A_657, %get3A_658] {strides = array<i32>} : memref<2x2x24x196xf32, #tpu.memory_space<vmem>>, vector<16xf32>,
        %mul3A_660 = arith.mulf %get3A_659, %gather3A : vector<16xf32>
        %swap3A_661 = arith.constant 1 : i32
        %swap3A_662 = arith.constant 0 : i32
        %swap3A_663 = arith.index_cast %swap3A_661 : i32 to index
        %swap3A_664 = arith.index_cast %swap3A_662 : i32 to index
        %swap3A_665 = arith.index_cast %add3A_561 : i32 to index
        %swap3A_666 = arith.constant 96 : index
        %swap3A_667 = tpu.vector_load %arg7[%swap3A_663, %swap3A_664, %swap3A_665, %swap3A_666] {strides = array<i32>} : memref<2x2x24x196xf32, #tpu.memory_space<vmem>>, vector<16xf32>,
        tpu.vector_store %arg7[%swap3A_663, %swap3A_664, %swap3A_665, %swap3A_666], %mul3A_660 {strides = array<i32>} : memref<2x2x24x196xf32, #tpu.memory_space<vmem>>, vector<16xf32>,
        %get3A_668 = arith.constant 1 : i32
        %get3A_669 = arith.constant 0 : i32
        %get3A_670 = arith.index_cast %get3A_668 : i32 to index
        %get3A_671 = arith.index_cast %get3A_669 : i32 to index
        %get3A_672 = arith.index_cast %add3A_561 : i32 to index
        %get3A_673 = arith.constant 112 : index
        %get3A_674 = tpu.vector_load %arg5[%get3A_670, %get3A_671, %get3A_672, %get3A_673] {strides = array<i32>} : memref<2x2x24x196xf32, #tpu.memory_space<vmem>>, vector<16xf32>,
        %mul3A_675 = arith.mulf %get3A_674, %gather3A : vector<16xf32>
        %swap3A_676 = arith.constant 1 : i32
        %swap3A_677 = arith.constant 0 : i32
        %swap3A_678 = arith.index_cast %swap3A_676 : i32 to index
        %swap3A_679 = arith.index_cast %swap3A_677 : i32 to index
        %swap3A_680 = arith.index_cast %add3A_561 : i32 to index
        %swap3A_681 = arith.constant 112 : index
        %swap3A_682 = tpu.vector_load %arg7[%swap3A_678, %swap3A_679, %swap3A_680, %swap3A_681] {strides = array<i32>} : memref<2x2x24x196xf32, #tpu.memory_space<vmem>>, vector<16xf32>,
        tpu.vector_store %arg7[%swap3A_678, %swap3A_679, %swap3A_680, %swap3A_681], %mul3A_675 {strides = array<i32>} : memref<2x2x24x196xf32, #tpu.memory_space<vmem>>, vector<16xf32>,
        %get3A_683 = arith.constant 1 : i32
        %get3A_684 = arith.constant 0 : i32
        %get3A_685 = arith.index_cast %get3A_683 : i32 to index
        %get3A_686 = arith.index_cast %get3A_684 : i32 to index
        %get3A_687 = arith.index_cast %add3A_561 : i32 to index
        %get3A_688 = arith.constant 128 : index
        %get3A_689 = tpu.vector_load %arg5[%get3A_685, %get3A_686, %get3A_687, %get3A_688] {strides = array<i32>} : memref<2x2x24x196xf32, #tpu.memory_space<vmem>>, vector<16xf32>,
        %mul3A_690 = arith.mulf %get3A_689, %gather3A : vector<16xf32>
        %swap3A_691 = arith.constant 1 : i32
        %swap3A_692 = arith.constant 0 : i32
        %swap3A_693 = arith.index_cast %swap3A_691 : i32 to index
        %swap3A_694 = arith.index_cast %swap3A_692 : i32 to index
        %swap3A_695 = arith.index_cast %add3A_561 : i32 to index
        %swap3A_696 = arith.constant 128 : index
        %swap3A_697 = tpu.vector_load %arg7[%swap3A_693, %swap3A_694, %swap3A_695, %swap3A_696] {strides = array<i32>} : memref<2x2x24x196xf32, #tpu.memory_space<vmem>>, vector<16xf32>,
        tpu.vector_store %arg7[%swap3A_693, %swap3A_694, %swap3A_695, %swap3A_696], %mul3A_690 {strides = array<i32>} : memref<2x2x24x196xf32, #tpu.memory_space<vmem>>, vector<16xf32>,
        %get3A_698 = arith.constant 1 : i32
        %get3A_699 = arith.constant 0 : i32
        %get3A_700 = arith.index_cast %get3A_698 : i32 to index
        %get3A_701 = arith.index_cast %get3A_699 : i32 to index
        %get3A_702 = arith.index_cast %add3A_561 : i32 to index
        %get3A_703 = arith.constant 144 : index
        %get3A_704 = tpu.vector_load %arg5[%get3A_700, %get3A_701, %get3A_702, %get3A_703] {strides = array<i32>} : memref<2x2x24x196xf32, #tpu.memory_space<vmem>>, vector<16xf32>,
        %mul3A_705 = arith.mulf %get3A_704, %gather3A : vector<16xf32>
        %swap3A_706 = arith.constant 1 : i32
        %swap3A_707 = arith.constant 0 : i32
        %swap3A_708 = arith.index_cast %swap3A_706 : i32 to index
        %swap3A_709 = arith.index_cast %swap3A_707 : i32 to index
        %swap3A_710 = arith.index_cast %add3A_561 : i32 to index
        %swap3A_711 = arith.constant 144 : index
        %swap3A_712 = tpu.vector_load %arg7[%swap3A_708, %swap3A_709, %swap3A_710, %swap3A_711] {strides = array<i32>} : memref<2x2x24x196xf32, #tpu.memory_space<vmem>>, vector<16xf32>,
        tpu.vector_store %arg7[%swap3A_708, %swap3A_709, %swap3A_710, %swap3A_711], %mul3A_705 {strides = array<i32>} : memref<2x2x24x196xf32, #tpu.memory_space<vmem>>, vector<16xf32>,
        %get3A_713 = arith.constant 1 : i32
        %get3A_714 = arith.constant 0 : i32
        %get3A_715 = arith.index_cast %get3A_713 : i32 to index
        %get3A_716 = arith.index_cast %get3A_714 : i32 to index
        %get3A_717 = arith.index_cast %add3A_561 : i32 to index
        %get3A_718 = arith.constant 160 : index
        %get3A_719 = tpu.vector_load %arg5[%get3A_715, %get3A_716, %get3A_717, %get3A_718] {strides = array<i32>} : memref<2x2x24x196xf32, #tpu.memory_space<vmem>>, vector<16xf32>,
        %mul3A_720 = arith.mulf %get3A_719, %gather3A : vector<16xf32>
        %swap3A_721 = arith.constant 1 : i32
        %swap3A_722 = arith.constant 0 : i32
        %swap3A_723 = arith.index_cast %swap3A_721 : i32 to index
        %swap3A_724 = arith.index_cast %swap3A_722 : i32 to index
        %swap3A_725 = arith.index_cast %add3A_561 : i32 to index
        %swap3A_726 = arith.constant 160 : index
        %swap3A_727 = tpu.vector_load %arg7[%swap3A_723, %swap3A_724, %swap3A_725, %swap3A_726] {strides = array<i32>} : memref<2x2x24x196xf32, #tpu.memory_space<vmem>>, vector<16xf32>,
        tpu.vector_store %arg7[%swap3A_723, %swap3A_724, %swap3A_725, %swap3A_726], %mul3A_720 {strides = array<i32>} : memref<2x2x24x196xf32, #tpu.memory_space<vmem>>, vector<16xf32>,
        %get3A_728 = arith.constant 1 : i32
        %get3A_729 = arith.constant 0 : i32
        %get3A_730 = arith.index_cast %get3A_728 : i32 to index
        %get3A_731 = arith.index_cast %get3A_729 : i32 to index
        %get3A_732 = arith.index_cast %add3A_561 : i32 to index
        %get3A_733 = arith.constant 176 : index
        %get3A_734 = tpu.vector_load %arg5[%get3A_730, %get3A_731, %get3A_732, %get3A_733] {strides = array<i32>} : memref<2x2x24x196xf32, #tpu.memory_space<vmem>>, vector<16xf32>,
        %mul3A_735 = arith.mulf %get3A_734, %gather3A : vector<16xf32>
        %swap3A_736 = arith.constant 1 : i32
        %swap3A_737 = arith.constant 0 : i32
        %swap3A_738 = arith.index_cast %swap3A_736 : i32 to index
        %swap3A_739 = arith.index_cast %swap3A_737 : i32 to index
        %swap3A_740 = arith.index_cast %add3A_561 : i32 to index
        %swap3A_741 = arith.constant 176 : index
        %swap3A_742 = tpu.vector_load %arg7[%swap3A_738, %swap3A_739, %swap3A_740, %swap3A_741] {strides = array<i32>} : memref<2x2x24x196xf32, #tpu.memory_space<vmem>>, vector<16xf32>,
        tpu.vector_store %arg7[%swap3A_738, %swap3A_739, %swap3A_740, %swap3A_741], %mul3A_735 {strides = array<i32>} : memref<2x2x24x196xf32, #tpu.memory_space<vmem>>, vector<16xf32>,
        %gather3A_743 = arith.constant 1 : i32
        %gather3A_744 = arith.constant 0 : i32
        %gather3A_745 = arith.constant 0 : i32
        %gather3A_746 = arith.constant 0 : i32
        %gather3A_747 = tpu.memref_slice %arg5[%gather3A_743, %gather3A_744, %gather3A_745, %gather3A_746] : memref<2x2x24x196xf32, #tpu.memory_space<vmem>> -> memref<1x1x24x196xf32, #tpu.memory_space<vmem>>
        %gather3A_748 = tpu.memref_squeeze %gather3A_747 : memref<1x1x24x196xf32, #tpu.memory_space<vmem>> -> memref<24x196xf32, #tpu.memory_space<vmem>>
        %gather3A_749 = tpu.vector_load_idx %gather3A_748[%broadcast_in_dim3A, %min3A_156] : memref<24x196xf32, #tpu.memory_space<vmem>>[vector<16xi32>, vector<16xi32>], vector<16xf32>,
        %mul3A_750 = arith.mulf %gather3A_749, %gather3A : vector<16xf32>
        %scatter3A = arith.constant 1 : i32
        %scatter3A_751 = arith.constant 0 : i32
        %scatter3A_752 = arith.constant 0 : i32
        %scatter3A_753 = arith.constant 0 : i32
        %scatter3A_754 = tpu.memref_slice %arg7[%scatter3A, %scatter3A_751, %scatter3A_752, %scatter3A_753] : memref<2x2x24x196xf32, #tpu.memory_space<vmem>> -> memref<1x1x24x196xf32, #tpu.memory_space<vmem>>
        %scatter3A_755 = tpu.memref_squeeze %scatter3A_754 : memref<1x1x24x196xf32, #tpu.memory_space<vmem>> -> memref<24x196xf32, #tpu.memory_space<vmem>>
        tpu.vector_store_idx %scatter3A_755[%broadcast_in_dim3A, %min3A_156], %mul3A_750 : memref<24x196xf32, #tpu.memory_space<vmem>>[vector<16xi32>, vector<16xi32>], vector<16xf32>,
      }
      %scan3A_442 = arith.constant 24 : i32
      %mul3A_443 = arith.constant 2 : i32
      %mul3A_444 = arith.muli %add3A_408, %mul3A_443 : i32
      %add3A_445 = arith.constant 1 : i32
      %add3A_446 = arith.addi %mul3A_444, %add3A_445 : i32
      %scan3A_447 = arith.constant 0 : i32
      %scan3A_448 = arith.constant 24 : i32
      %scan3A_449 = arith.addi %scan3A_447, %scan3A_448 : i32
      %scan3A_450 = arith.constant 1 : i32
      scf.for %scan3A_557 = %scan3A_447 to %scan3A_449 step %scan3A_450  : i32 {
        %mul3A_558 = arith.constant 1 : i32
        %mul3A_559 = arith.muli %scan3A_557, %mul3A_558 : i32
        %add3A_560 = arith.constant 0 : i32
        %add3A_561 = arith.addi %add3A_560, %mul3A_559 : i32
        %broadcast_in_dim3A = vector.broadcast %add3A_561 : i32 to vector<16xi32>
        %broadcast_in_dim3A_562 = vector.broadcast %add3A_446 : i32 to vector<16xi32>
        %add3A_563 = arith.addi %mul3A_2, %add3A_561 : i32
        %broadcast_in_dim3A_564 = vector.broadcast %add3A_563 : i32 to vector<16xi32>
        %gather3A = tpu.vector_load_idx %arg6[%broadcast_in_dim3A_562, %broadcast_in_dim3A_564] : memref<80x768xf32, #tpu.memory_space<vmem>>[vector<16xi32>, vector<16xi32>], vector<16xf32>,
        %get3A = arith.constant 1 : i32
        %get3A_565 = arith.constant 1 : i32
        %get3A_566 = arith.index_cast %get3A : i32 to index
        %get3A_567 = arith.index_cast %get3A_565 : i32 to index
        %get3A_568 = arith.index_cast %add3A_561 : i32 to index
        %get3A_569 = arith.constant 0 : index
        %get3A_570 = tpu.vector_load %arg5[%get3A_566, %get3A_567, %get3A_568, %get3A_569] {strides = array<i32>} : memref<2x2x24x196xf32, #tpu.memory_space<vmem>>, vector<16xf32>,
        %mul3A_571 = arith.mulf %get3A_570, %gather3A : vector<16xf32>
        %swap3A = arith.constant 1 : i32
        %swap3A_572 = arith.constant 1 : i32
        %swap3A_573 = arith.index_cast %swap3A : i32 to index
        %swap3A_574 = arith.index_cast %swap3A_572 : i32 to index
        %swap3A_575 = arith.index_cast %add3A_561 : i32 to index
        %swap3A_576 = arith.constant 0 : index
        %swap3A_577 = tpu.vector_load %arg7[%swap3A_573, %swap3A_574, %swap3A_575, %swap3A_576] {strides = array<i32>} : memref<2x2x24x196xf32, #tpu.memory_space<vmem>>, vector<16xf32>,
        tpu.vector_store %arg7[%swap3A_573, %swap3A_574, %swap3A_575, %swap3A_576], %mul3A_571 {strides = array<i32>} : memref<2x2x24x196xf32, #tpu.memory_space<vmem>>, vector<16xf32>,
        %get3A_578 = arith.constant 1 : i32
        %get3A_579 = arith.constant 1 : i32
        %get3A_580 = arith.index_cast %get3A_578 : i32 to index
        %get3A_581 = arith.index_cast %get3A_579 : i32 to index
        %get3A_582 = arith.index_cast %add3A_561 : i32 to index
        %get3A_583 = arith.constant 16 : index
        %get3A_584 = tpu.vector_load %arg5[%get3A_580, %get3A_581, %get3A_582, %get3A_583] {strides = array<i32>} : memref<2x2x24x196xf32, #tpu.memory_space<vmem>>, vector<16xf32>,
        %mul3A_585 = arith.mulf %get3A_584, %gather3A : vector<16xf32>
        %swap3A_586 = arith.constant 1 : i32
        %swap3A_587 = arith.constant 1 : i32
        %swap3A_588 = arith.index_cast %swap3A_586 : i32 to index
        %swap3A_589 = arith.index_cast %swap3A_587 : i32 to index
        %swap3A_590 = arith.index_cast %add3A_561 : i32 to index
        %swap3A_591 = arith.constant 16 : index
        %swap3A_592 = tpu.vector_load %arg7[%swap3A_588, %swap3A_589, %swap3A_590, %swap3A_591] {strides = array<i32>} : memref<2x2x24x196xf32, #tpu.memory_space<vmem>>, vector<16xf32>,
        tpu.vector_store %arg7[%swap3A_588, %swap3A_589, %swap3A_590, %swap3A_591], %mul3A_585 {strides = array<i32>} : memref<2x2x24x196xf32, #tpu.memory_space<vmem>>, vector<16xf32>,
        %get3A_593 = arith.constant 1 : i32
        %get3A_594 = arith.constant 1 : i32
        %get3A_595 = arith.index_cast %get3A_593 : i32 to index
        %get3A_596 = arith.index_cast %get3A_594 : i32 to index
        %get3A_597 = arith.index_cast %add3A_561 : i32 to index
        %get3A_598 = arith.constant 32 : index
        %get3A_599 = tpu.vector_load %arg5[%get3A_595, %get3A_596, %get3A_597, %get3A_598] {strides = array<i32>} : memref<2x2x24x196xf32, #tpu.memory_space<vmem>>, vector<16xf32>,
        %mul3A_600 = arith.mulf %get3A_599, %gather3A : vector<16xf32>
        %swap3A_601 = arith.constant 1 : i32
        %swap3A_602 = arith.constant 1 : i32
        %swap3A_603 = arith.index_cast %swap3A_601 : i32 to index
        %swap3A_604 = arith.index_cast %swap3A_602 : i32 to index
        %swap3A_605 = arith.index_cast %add3A_561 : i32 to index
        %swap3A_606 = arith.constant 32 : index
        %swap3A_607 = tpu.vector_load %arg7[%swap3A_603, %swap3A_604, %swap3A_605, %swap3A_606] {strides = array<i32>} : memref<2x2x24x196xf32, #tpu.memory_space<vmem>>, vector<16xf32>,
        tpu.vector_store %arg7[%swap3A_603, %swap3A_604, %swap3A_605, %swap3A_606], %mul3A_600 {strides = array<i32>} : memref<2x2x24x196xf32, #tpu.memory_space<vmem>>, vector<16xf32>,
        %get3A_608 = arith.constant 1 : i32
        %get3A_609 = arith.constant 1 : i32
        %get3A_610 = arith.index_cast %get3A_608 : i32 to index
        %get3A_611 = arith.index_cast %get3A_609 : i32 to index
        %get3A_612 = arith.index_cast %add3A_561 : i32 to index
        %get3A_613 = arith.constant 48 : index
        %get3A_614 = tpu.vector_load %arg5[%get3A_610, %get3A_611, %get3A_612, %get3A_613] {strides = array<i32>} : memref<2x2x24x196xf32, #tpu.memory_space<vmem>>, vector<16xf32>,
        %mul3A_615 = arith.mulf %get3A_614, %gather3A : vector<16xf32>
        %swap3A_616 = arith.constant 1 : i32
        %swap3A_617 = arith.constant 1 : i32
        %swap3A_618 = arith.index_cast %swap3A_616 : i32 to index
        %swap3A_619 = arith.index_cast %swap3A_617 : i32 to index
        %swap3A_620 = arith.index_cast %add3A_561 : i32 to index
        %swap3A_621 = arith.constant 48 : index
        %swap3A_622 = tpu.vector_load %arg7[%swap3A_618, %swap3A_619, %swap3A_620, %swap3A_621] {strides = array<i32>} : memref<2x2x24x196xf32, #tpu.memory_space<vmem>>, vector<16xf32>,
        tpu.vector_store %arg7[%swap3A_618, %swap3A_619, %swap3A_620, %swap3A_621], %mul3A_615 {strides = array<i32>} : memref<2x2x24x196xf32, #tpu.memory_space<vmem>>, vector<16xf32>,
        %get3A_623 = arith.constant 1 : i32
        %get3A_624 = arith.constant 1 : i32
        %get3A_625 = arith.index_cast %get3A_623 : i32 to index
        %get3A_626 = arith.index_cast %get3A_624 : i32 to index
        %get3A_627 = arith.index_cast %add3A_561 : i32 to index
        %get3A_628 = arith.constant 64 : index
        %get3A_629 = tpu.vector_load %arg5[%get3A_625, %get3A_626, %get3A_627, %get3A_628] {strides = array<i32>} : memref<2x2x24x196xf32, #tpu.memory_space<vmem>>, vector<16xf32>,
        %mul3A_630 = arith.mulf %get3A_629, %gather3A : vector<16xf32>
        %swap3A_631 = arith.constant 1 : i32
        %swap3A_632 = arith.constant 1 : i32
        %swap3A_633 = arith.index_cast %swap3A_631 : i32 to index
        %swap3A_634 = arith.index_cast %swap3A_632 : i32 to index
        %swap3A_635 = arith.index_cast %add3A_561 : i32 to index
        %swap3A_636 = arith.constant 64 : index
        %swap3A_637 = tpu.vector_load %arg7[%swap3A_633, %swap3A_634, %swap3A_635, %swap3A_636] {strides = array<i32>} : memref<2x2x24x196xf32, #tpu.memory_space<vmem>>, vector<16xf32>,
        tpu.vector_store %arg7[%swap3A_633, %swap3A_634, %swap3A_635, %swap3A_636], %mul3A_630 {strides = array<i32>} : memref<2x2x24x196xf32, #tpu.memory_space<vmem>>, vector<16xf32>,
        %get3A_638 = arith.constant 1 : i32
        %get3A_639 = arith.constant 1 : i32
        %get3A_640 = arith.index_cast %get3A_638 : i32 to index
        %get3A_641 = arith.index_cast %get3A_639 : i32 to index
        %get3A_642 = arith.index_cast %add3A_561 : i32 to index
        %get3A_643 = arith.constant 80 : index
        %get3A_644 = tpu.vector_load %arg5[%get3A_640, %get3A_641, %get3A_642, %get3A_643] {strides = array<i32>} : memref<2x2x24x196xf32, #tpu.memory_space<vmem>>, vector<16xf32>,
        %mul3A_645 = arith.mulf %get3A_644, %gather3A : vector<16xf32>
        %swap3A_646 = arith.constant 1 : i32
        %swap3A_647 = arith.constant 1 : i32
        %swap3A_648 = arith.index_cast %swap3A_646 : i32 to index
        %swap3A_649 = arith.index_cast %swap3A_647 : i32 to index
        %swap3A_650 = arith.index_cast %add3A_561 : i32 to index
        %swap3A_651 = arith.constant 80 : index
        %swap3A_652 = tpu.vector_load %arg7[%swap3A_648, %swap3A_649, %swap3A_650, %swap3A_651] {strides = array<i32>} : memref<2x2x24x196xf32, #tpu.memory_space<vmem>>, vector<16xf32>,
        tpu.vector_store %arg7[%swap3A_648, %swap3A_649, %swap3A_650, %swap3A_651], %mul3A_645 {strides = array<i32>} : memref<2x2x24x196xf32, #tpu.memory_space<vmem>>, vector<16xf32>,
        %get3A_653 = arith.constant 1 : i32
        %get3A_654 = arith.constant 1 : i32
        %get3A_655 = arith.index_cast %get3A_653 : i32 to index
        %get3A_656 = arith.index_cast %get3A_654 : i32 to index
        %get3A_657 = arith.index_cast %add3A_561 : i32 to index
        %get3A_658 = arith.constant 96 : index
        %get3A_659 = tpu.vector_load %arg5[%get3A_655, %get3A_656, %get3A_657, %get3A_658] {strides = array<i32>} : memref<2x2x24x196xf32, #tpu.memory_space<vmem>>, vector<16xf32>,
        %mul3A_660 = arith.mulf %get3A_659, %gather3A : vector<16xf32>
        %swap3A_661 = arith.constant 1 : i32
        %swap3A_662 = arith.constant 1 : i32
        %swap3A_663 = arith.index_cast %swap3A_661 : i32 to index
        %swap3A_664 = arith.index_cast %swap3A_662 : i32 to index
        %swap3A_665 = arith.index_cast %add3A_561 : i32 to index
        %swap3A_666 = arith.constant 96 : index
        %swap3A_667 = tpu.vector_load %arg7[%swap3A_663, %swap3A_664, %swap3A_665, %swap3A_666] {strides = array<i32>} : memref<2x2x24x196xf32, #tpu.memory_space<vmem>>, vector<16xf32>,
        tpu.vector_store %arg7[%swap3A_663, %swap3A_664, %swap3A_665, %swap3A_666], %mul3A_660 {strides = array<i32>} : memref<2x2x24x196xf32, #tpu.memory_space<vmem>>, vector<16xf32>,
        %get3A_668 = arith.constant 1 : i32
        %get3A_669 = arith.constant 1 : i32
        %get3A_670 = arith.index_cast %get3A_668 : i32 to index
        %get3A_671 = arith.index_cast %get3A_669 : i32 to index
        %get3A_672 = arith.index_cast %add3A_561 : i32 to index
        %get3A_673 = arith.constant 112 : index
        %get3A_674 = tpu.vector_load %arg5[%get3A_670, %get3A_671, %get3A_672, %get3A_673] {strides = array<i32>} : memref<2x2x24x196xf32, #tpu.memory_space<vmem>>, vector<16xf32>,
        %mul3A_675 = arith.mulf %get3A_674, %gather3A : vector<16xf32>
        %swap3A_676 = arith.constant 1 : i32
        %swap3A_677 = arith.constant 1 : i32
        %swap3A_678 = arith.index_cast %swap3A_676 : i32 to index
        %swap3A_679 = arith.index_cast %swap3A_677 : i32 to index
        %swap3A_680 = arith.index_cast %add3A_561 : i32 to index
        %swap3A_681 = arith.constant 112 : index
        %swap3A_682 = tpu.vector_load %arg7[%swap3A_678, %swap3A_679, %swap3A_680, %swap3A_681] {strides = array<i32>} : memref<2x2x24x196xf32, #tpu.memory_space<vmem>>, vector<16xf32>,
        tpu.vector_store %arg7[%swap3A_678, %swap3A_679, %swap3A_680, %swap3A_681], %mul3A_675 {strides = array<i32>} : memref<2x2x24x196xf32, #tpu.memory_space<vmem>>, vector<16xf32>,
        %get3A_683 = arith.constant 1 : i32
        %get3A_684 = arith.constant 1 : i32
        %get3A_685 = arith.index_cast %get3A_683 : i32 to index
        %get3A_686 = arith.index_cast %get3A_684 : i32 to index
        %get3A_687 = arith.index_cast %add3A_561 : i32 to index
        %get3A_688 = arith.constant 128 : index
        %get3A_689 = tpu.vector_load %arg5[%get3A_685, %get3A_686, %get3A_687, %get3A_688] {strides = array<i32>} : memref<2x2x24x196xf32, #tpu.memory_space<vmem>>, vector<16xf32>,
        %mul3A_690 = arith.mulf %get3A_689, %gather3A : vector<16xf32>
        %swap3A_691 = arith.constant 1 : i32
        %swap3A_692 = arith.constant 1 : i32
        %swap3A_693 = arith.index_cast %swap3A_691 : i32 to index
        %swap3A_694 = arith.index_cast %swap3A_692 : i32 to index
        %swap3A_695 = arith.index_cast %add3A_561 : i32 to index
        %swap3A_696 = arith.constant 128 : index
        %swap3A_697 = tpu.vector_load %arg7[%swap3A_693, %swap3A_694, %swap3A_695, %swap3A_696] {strides = array<i32>} : memref<2x2x24x196xf32, #tpu.memory_space<vmem>>, vector<16xf32>,
        tpu.vector_store %arg7[%swap3A_693, %swap3A_694, %swap3A_695, %swap3A_696], %mul3A_690 {strides = array<i32>} : memref<2x2x24x196xf32, #tpu.memory_space<vmem>>, vector<16xf32>,
        %get3A_698 = arith.constant 1 : i32
        %get3A_699 = arith.constant 1 : i32
        %get3A_700 = arith.index_cast %get3A_698 : i32 to index
        %get3A_701 = arith.index_cast %get3A_699 : i32 to index
        %get3A_702 = arith.index_cast %add3A_561 : i32 to index
        %get3A_703 = arith.constant 144 : index
        %get3A_704 = tpu.vector_load %arg5[%get3A_700, %get3A_701, %get3A_702, %get3A_703] {strides = array<i32>} : memref<2x2x24x196xf32, #tpu.memory_space<vmem>>, vector<16xf32>,
        %mul3A_705 = arith.mulf %get3A_704, %gather3A : vector<16xf32>
        %swap3A_706 = arith.constant 1 : i32
        %swap3A_707 = arith.constant 1 : i32
        %swap3A_708 = arith.index_cast %swap3A_706 : i32 to index
        %swap3A_709 = arith.index_cast %swap3A_707 : i32 to index
        %swap3A_710 = arith.index_cast %add3A_561 : i32 to index
        %swap3A_711 = arith.constant 144 : index
        %swap3A_712 = tpu.vector_load %arg7[%swap3A_708, %swap3A_709, %swap3A_710, %swap3A_711] {strides = array<i32>} : memref<2x2x24x196xf32, #tpu.memory_space<vmem>>, vector<16xf32>,
        tpu.vector_store %arg7[%swap3A_708, %swap3A_709, %swap3A_710, %swap3A_711], %mul3A_705 {strides = array<i32>} : memref<2x2x24x196xf32, #tpu.memory_space<vmem>>, vector<16xf32>,
        %get3A_713 = arith.constant 1 : i32
        %get3A_714 = arith.constant 1 : i32
        %get3A_715 = arith.index_cast %get3A_713 : i32 to index
        %get3A_716 = arith.index_cast %get3A_714 : i32 to index
        %get3A_717 = arith.index_cast %add3A_561 : i32 to index
        %get3A_718 = arith.constant 160 : index
        %get3A_719 = tpu.vector_load %arg5[%get3A_715, %get3A_716, %get3A_717, %get3A_718] {strides = array<i32>} : memref<2x2x24x196xf32, #tpu.memory_space<vmem>>, vector<16xf32>,
        %mul3A_720 = arith.mulf %get3A_719, %gather3A : vector<16xf32>
        %swap3A_721 = arith.constant 1 : i32
        %swap3A_722 = arith.constant 1 : i32
        %swap3A_723 = arith.index_cast %swap3A_721 : i32 to index
        %swap3A_724 = arith.index_cast %swap3A_722 : i32 to index
        %swap3A_725 = arith.index_cast %add3A_561 : i32 to index
        %swap3A_726 = arith.constant 160 : index
        %swap3A_727 = tpu.vector_load %arg7[%swap3A_723, %swap3A_724, %swap3A_725, %swap3A_726] {strides = array<i32>} : memref<2x2x24x196xf32, #tpu.memory_space<vmem>>, vector<16xf32>,
        tpu.vector_store %arg7[%swap3A_723, %swap3A_724, %swap3A_725, %swap3A_726], %mul3A_720 {strides = array<i32>} : memref<2x2x24x196xf32, #tpu.memory_space<vmem>>, vector<16xf32>,
        %get3A_728 = arith.constant 1 : i32
        %get3A_729 = arith.constant 1 : i32
        %get3A_730 = arith.index_cast %get3A_728 : i32 to index
        %get3A_731 = arith.index_cast %get3A_729 : i32 to index
        %get3A_732 = arith.index_cast %add3A_561 : i32 to index
        %get3A_733 = arith.constant 176 : index
        %get3A_734 = tpu.vector_load %arg5[%get3A_730, %get3A_731, %get3A_732, %get3A_733] {strides = array<i32>} : memref<2x2x24x196xf32, #tpu.memory_space<vmem>>, vector<16xf32>,
        %mul3A_735 = arith.mulf %get3A_734, %gather3A : vector<16xf32>
        %swap3A_736 = arith.constant 1 : i32
        %swap3A_737 = arith.constant 1 : i32
        %swap3A_738 = arith.index_cast %swap3A_736 : i32 to index
        %swap3A_739 = arith.index_cast %swap3A_737 : i32 to index
        %swap3A_740 = arith.index_cast %add3A_561 : i32 to index
        %swap3A_741 = arith.constant 176 : index
        %swap3A_742 = tpu.vector_load %arg7[%swap3A_738, %swap3A_739, %swap3A_740, %swap3A_741] {strides = array<i32>} : memref<2x2x24x196xf32, #tpu.memory_space<vmem>>, vector<16xf32>,
        tpu.vector_store %arg7[%swap3A_738, %swap3A_739, %swap3A_740, %swap3A_741], %mul3A_735 {strides = array<i32>} : memref<2x2x24x196xf32, #tpu.memory_space<vmem>>, vector<16xf32>,
        %gather3A_743 = arith.constant 1 : i32
        %gather3A_744 = arith.constant 1 : i32
        %gather3A_745 = arith.constant 0 : i32
        %gather3A_746 = arith.constant 0 : i32
        %gather3A_747 = tpu.memref_slice %arg5[%gather3A_743, %gather3A_744, %gather3A_745, %gather3A_746] : memref<2x2x24x196xf32, #tpu.memory_space<vmem>> -> memref<1x1x24x196xf32, #tpu.memory_space<vmem>>
        %gather3A_748 = tpu.memref_squeeze %gather3A_747 : memref<1x1x24x196xf32, #tpu.memory_space<vmem>> -> memref<24x196xf32, #tpu.memory_space<vmem>>
        %gather3A_749 = tpu.vector_load_idx %gather3A_748[%broadcast_in_dim3A, %min3A_156] : memref<24x196xf32, #tpu.memory_space<vmem>>[vector<16xi32>, vector<16xi32>], vector<16xf32>,
        %mul3A_750 = arith.mulf %gather3A_749, %gather3A : vector<16xf32>
        %scatter3A = arith.constant 1 : i32
        %scatter3A_751 = arith.constant 1 : i32
        %scatter3A_752 = arith.constant 0 : i32
        %scatter3A_753 = arith.constant 0 : i32
        %scatter3A_754 = tpu.memref_slice %arg7[%scatter3A, %scatter3A_751, %scatter3A_752, %scatter3A_753] : memref<2x2x24x196xf32, #tpu.memory_space<vmem>> -> memref<1x1x24x196xf32, #tpu.memory_space<vmem>>
        %scatter3A_755 = tpu.memref_squeeze %scatter3A_754 : memref<1x1x24x196xf32, #tpu.memory_space<vmem>> -> memref<24x196xf32, #tpu.memory_space<vmem>>
        tpu.vector_store_idx %scatter3A_755[%broadcast_in_dim3A, %min3A_156], %mul3A_750 : memref<24x196xf32, #tpu.memory_space<vmem>>[vector<16xi32>, vector<16xi32>], vector<16xf32>,
      }
      %scan3A_451 = arith.constant 24 : i32
      %mul3A_452 = arith.constant 2 : i32
      %mul3A_453 = arith.muli %add3A_408, %mul3A_452 : i32
      %jit3A_454 = arith.constant 16 : i32
      %div3A_455 = arith.divsi %mul3A_453, %jit3A_454 : i32
      %sign3A_456 = arith.constant 0 : i32
      %sign3A_457 = arith.cmpi sgt, %mul3A_453, %sign3A_456 : i32
      %sign3A_458 = arith.extui %sign3A_457 : i1 to i32
      %sign3A_459 = arith.constant 0 : i32
      %sign3A_460 = arith.cmpi slt, %mul3A_453, %sign3A_459 : i32
      %sign3A_461 = arith.extui %sign3A_460 : i1 to i32
      %sign3A_462 = arith.subi %sign3A_458, %sign3A_461 : i32
      %sign3A_463 = arith.constant 0 : i32
      %sign3A_464 = arith.cmpi sgt, %jit3A_454, %sign3A_463 : i32
      %sign3A_465 = arith.extui %sign3A_464 : i1 to i32
      %sign3A_466 = arith.constant 0 : i32
      %sign3A_467 = arith.cmpi slt, %jit3A_454, %sign3A_466 : i32
      %sign3A_468 = arith.extui %sign3A_467 : i1 to i32
      %sign3A_469 = arith.subi %sign3A_465, %sign3A_468 : i32
      %ne3A_470 = arith.cmpi ne, %sign3A_462, %sign3A_469 : i32
      %rem3A_471 = arith.remsi %mul3A_453, %jit3A_454 : i32
      %ne3A_472 = arith.constant 0 : i32
      %ne3A_473 = arith.cmpi ne, %rem3A_471, %ne3A_472 : i32
      %and3A_474 = arith.andi %ne3A_470, %ne3A_473 : i1
      %sub3A_475 = arith.constant 1 : i32
      %sub3A_476 = arith.subi %div3A_455, %sub3A_475 : i32
      %select_n3A_477 = arith.select %and3A_474, %sub3A_476, %div3A_455 : i32
      %rem3A_478 = arith.constant 16 : i32
      %rem3A_479 = arith.remsi %mul3A_453, %rem3A_478 : i32
      %dma_start3A_480 = arith.constant 1 : i32
      %dma_start3A_481 = arith.constant 0 : i32
      %dma_start3A_482 = arith.constant 1 : i32
      %dma_start3A_483 = arith.constant 0 : i32
      %dma_start3A_484 = arith.constant 0 : i32
      %dma_start3A_485 = arith.constant 0 : i32
      %dma_start3A_486 = tpu.memref_slice %arg7[%dma_start3A_480, %dma_start3A_483, %dma_start3A_484, %dma_start3A_485] : memref<2x2x24x196xf32, #tpu.memory_space<vmem>> -> memref<1x2x24x196xf32, #tpu.memory_space<vmem>>
      %dma_start3A_487 = tpu.memref_squeeze %dma_start3A_486 : memref<1x2x24x196xf32, #tpu.memory_space<vmem>> -> memref<2x24x196xf32, #tpu.memory_space<vmem>>
      %dma_start3A_488 = arith.constant 0 : i32
      %dma_start3A_489 = tpu.memref_slice %arg4[%select_n3A_477, %dma_start3A_481, %rem3A_479, %mul3A_2, %dma_start3A_488] : memref<5x2x16x768x196xf32, #tpu.memory_space<hbm>> -> memref<1x1x2x24x196xf32, #tpu.memory_space<hbm>>
      %dma_start3A_490 = tpu.memref_squeeze %dma_start3A_489 : memref<1x1x2x24x196xf32, #tpu.memory_space<hbm>> -> memref<2x24x196xf32, #tpu.memory_space<hbm>>
      %dma_start3A_491 = tpu.memref_slice %arg10[%dma_start3A_482] : memref<2x!tpu.dma_semaphore, #tpu.memory_space<semaphore_mem>> -> memref<1x!tpu.dma_semaphore, #tpu.memory_space<semaphore_mem>>
      %dma_start3A_492 = tpu.memref_squeeze %dma_start3A_491 : memref<1x!tpu.dma_semaphore, #tpu.memory_space<semaphore_mem>> -> memref<!tpu.dma_semaphore, #tpu.memory_space<semaphore_mem>>
      %dma_start3A_493 = arith.constant 0 : i32
      %dma_start3A_494 = tpu.memref_slice %arg4[%select_n3A_477, %dma_start3A_481, %rem3A_479, %mul3A_2, %dma_start3A_493] : memref<5x2x16x768x196xf32, #tpu.memory_space<hbm>> -> memref<1x1x2x24x196xf32, #tpu.memory_space<hbm>>
      %dma_start3A_495 = tpu.memref_squeeze %dma_start3A_494 : memref<1x1x2x24x196xf32, #tpu.memory_space<hbm>> -> memref<2x24x196xf32, #tpu.memory_space<hbm>>
      %dma_start3A_496 = arith.constant 0 : i32
      %dma_start3A_497 = arith.constant 0 : i32
      %dma_start3A_498 = arith.constant 0 : i32
      %dma_start3A_499 = tpu.memref_slice %arg7[%dma_start3A_480, %dma_start3A_496, %dma_start3A_497, %dma_start3A_498] : memref<2x2x24x196xf32, #tpu.memory_space<vmem>> -> memref<1x2x24x196xf32, #tpu.memory_space<vmem>>
      %dma_start3A_500 = tpu.memref_squeeze %dma_start3A_499 : memref<1x2x24x196xf32, #tpu.memory_space<vmem>> -> memref<2x24x196xf32, #tpu.memory_space<vmem>>
      tpu.enqueue_dma source(%dma_start3A_500 : memref<2x24x196xf32, #tpu.memory_space<vmem>>) target(%dma_start3A_495 : memref<2x24x196xf32, #tpu.memory_space<hbm>>) target_semaphore(%dma_start3A_492 : memref<!tpu.dma_semaphore, #tpu.memory_space<semaphore_mem>>)
      %mul3A_501 = arith.constant 2 : i32
      %mul3A_502 = arith.muli %add3A_408, %mul3A_501 : i32
      %jit3A_503 = arith.constant 16 : i32
      %div3A_504 = arith.divsi %mul3A_502, %jit3A_503 : i32
      %sign3A_505 = arith.constant 0 : i32
      %sign3A_506 = arith.cmpi sgt, %mul3A_502, %sign3A_505 : i32
      %sign3A_507 = arith.extui %sign3A_506 : i1 to i32
      %sign3A_508 = arith.constant 0 : i32
      %sign3A_509 = arith.cmpi slt, %mul3A_502, %sign3A_508 : i32
      %sign3A_510 = arith.extui %sign3A_509 : i1 to i32
      %sign3A_511 = arith.subi %sign3A_507, %sign3A_510 : i32
      %sign3A_512 = arith.constant 0 : i32
      %sign3A_513 = arith.cmpi sgt, %jit3A_503, %sign3A_512 : i32
      %sign3A_514 = arith.extui %sign3A_513 : i1 to i32
      %sign3A_515 = arith.constant 0 : i32
      %sign3A_516 = arith.cmpi slt, %jit3A_503, %sign3A_515 : i32
      %sign3A_517 = arith.extui %sign3A_516 : i1 to i32
      %sign3A_518 = arith.subi %sign3A_514, %sign3A_517 : i32
      %ne3A_519 = arith.cmpi ne, %sign3A_511, %sign3A_518 : i32
      %rem3A_520 = arith.remsi %mul3A_502, %jit3A_503 : i32
      %ne3A_521 = arith.constant 0 : i32
      %ne3A_522 = arith.cmpi ne, %rem3A_520, %ne3A_521 : i32
      %and3A_523 = arith.andi %ne3A_519, %ne3A_522 : i1
      %sub3A_524 = arith.constant 1 : i32
      %sub3A_525 = arith.subi %div3A_504, %sub3A_524 : i32
      %select_n3A_526 = arith.select %and3A_523, %sub3A_525, %div3A_504 : i32
      %rem3A_527 = arith.constant 16 : i32
      %rem3A_528 = arith.remsi %mul3A_502, %rem3A_527 : i32
      %dma_start3A_529 = arith.constant 1 : i32
      %dma_start3A_530 = arith.constant 1 : i32
      %dma_start3A_531 = arith.constant 1 : i32
      %dma_start3A_532 = arith.constant 0 : i32
      %dma_start3A_533 = arith.constant 0 : i32
      %dma_start3A_534 = arith.constant 0 : i32
      %dma_start3A_535 = tpu.memref_slice %arg7[%dma_start3A_529, %dma_start3A_532, %dma_start3A_533, %dma_start3A_534] : memref<2x2x24x196xf32, #tpu.memory_space<vmem>> -> memref<1x2x24x196xf32, #tpu.memory_space<vmem>>
      %dma_start3A_536 = tpu.memref_squeeze %dma_start3A_535 : memref<1x2x24x196xf32, #tpu.memory_space<vmem>> -> memref<2x24x196xf32, #tpu.memory_space<vmem>>
      %dma_start3A_537 = arith.constant 0 : i32
      %dma_start3A_538 = tpu.memref_slice %arg4[%select_n3A_526, %dma_start3A_530, %rem3A_528, %mul3A_2, %dma_start3A_537] : memref<5x2x16x768x196xf32, #tpu.memory_space<hbm>> -> memref<1x1x2x24x196xf32, #tpu.memory_space<hbm>>
      %dma_start3A_539 = tpu.memref_squeeze %dma_start3A_538 : memref<1x1x2x24x196xf32, #tpu.memory_space<hbm>> -> memref<2x24x196xf32, #tpu.memory_space<hbm>>
      %dma_start3A_540 = tpu.memref_slice %arg10[%dma_start3A_531] : memref<2x!tpu.dma_semaphore, #tpu.memory_space<semaphore_mem>> -> memref<1x!tpu.dma_semaphore, #tpu.memory_space<semaphore_mem>>
      %dma_start3A_541 = tpu.memref_squeeze %dma_start3A_540 : memref<1x!tpu.dma_semaphore, #tpu.memory_space<semaphore_mem>> -> memref<!tpu.dma_semaphore, #tpu.memory_space<semaphore_mem>>
      %dma_start3A_542 = arith.constant 0 : i32
      %dma_start3A_543 = tpu.memref_slice %arg4[%select_n3A_526, %dma_start3A_530, %rem3A_528, %mul3A_2, %dma_start3A_542] : memref<5x2x16x768x196xf32, #tpu.memory_space<hbm>> -> memref<1x1x2x24x196xf32, #tpu.memory_space<hbm>>
      %dma_start3A_544 = tpu.memref_squeeze %dma_start3A_543 : memref<1x1x2x24x196xf32, #tpu.memory_space<hbm>> -> memref<2x24x196xf32, #tpu.memory_space<hbm>>
      %dma_start3A_545 = arith.constant 0 : i32
      %dma_start3A_546 = arith.constant 0 : i32
      %dma_start3A_547 = arith.constant 0 : i32
      %dma_start3A_548 = tpu.memref_slice %arg7[%dma_start3A_529, %dma_start3A_545, %dma_start3A_546, %dma_start3A_547] : memref<2x2x24x196xf32, #tpu.memory_space<vmem>> -> memref<1x2x24x196xf32, #tpu.memory_space<vmem>>
      %dma_start3A_549 = tpu.memref_squeeze %dma_start3A_548 : memref<1x2x24x196xf32, #tpu.memory_space<vmem>> -> memref<2x24x196xf32, #tpu.memory_space<vmem>>
      tpu.enqueue_dma source(%dma_start3A_549 : memref<2x24x196xf32, #tpu.memory_space<vmem>>) target(%dma_start3A_544 : memref<2x24x196xf32, #tpu.memory_space<hbm>>) target_semaphore(%dma_start3A_541 : memref<!tpu.dma_semaphore, #tpu.memory_space<semaphore_mem>>)
      %add3A_550 = arith.constant 2 : i32
      %add3A_551 = arith.addi %add3A_408, %add3A_550 : i32
      %lt3A_552 = arith.constant 40 : i32
      %lt3A_553 = arith.cmpi slt, %add3A_551, %lt3A_552 : i32
      %convert_element_type3A_554 = arith.extui %lt3A_553 : i1 to i32
      %cond3A_555 = arith.constant 0 : i32
      %cond3A_556 = arith.cmpi ne, %convert_element_type3A_554, %cond3A_555 : i32
      scf.if %cond3A_556 {
        %add3A_557 = arith.constant 2 : i32
        %add3A_558 = arith.addi %add3A_408, %add3A_557 : i32
        %mul3A_559 = arith.constant 2 : i32
        %mul3A_560 = arith.muli %add3A_558, %mul3A_559 : i32
        %dma_start3A_561 = arith.constant 1 : i32
        %dma_start3A_562 = arith.constant 1 : i32
        %dma_start3A_563 = arith.constant 0 : i32
        %dma_start3A_564 = arith.constant 0 : i32
        %dma_start3A_565 = arith.constant 0 : i32
        %dma_start3A_566 = tpu.memref_slice %arg5[%dma_start3A_561, %dma_start3A_563, %dma_start3A_564, %dma_start3A_565] : memref<2x2x24x196xf32, #tpu.memory_space<vmem>> -> memref<1x2x24x196xf32, #tpu.memory_space<vmem>>
        %dma_start3A_567 = tpu.memref_squeeze %dma_start3A_566 : memref<1x2x24x196xf32, #tpu.memory_space<vmem>> -> memref<2x24x196xf32, #tpu.memory_space<vmem>>
        %dma_start3A_568 = arith.constant 0 : i32
        %dma_start3A_569 = tpu.memref_slice %arg2[%mul3A_560, %mul3A_2, %dma_start3A_568] : memref<80x768x196xf32, #tpu.memory_space<hbm>> -> memref<2x24x196xf32, #tpu.memory_space<hbm>>
        %dma_start3A_570 = tpu.memref_slice %arg9[%dma_start3A_562] : memref<2x!tpu.dma_semaphore, #tpu.memory_space<semaphore_mem>> -> memref<1x!tpu.dma_semaphore, #tpu.memory_space<semaphore_mem>>
        %dma_start3A_571 = tpu.memref_squeeze %dma_start3A_570 : memref<1x!tpu.dma_semaphore, #tpu.memory_space<semaphore_mem>> -> memref<!tpu.dma_semaphore, #tpu.memory_space<semaphore_mem>>
        %dma_start3A_572 = arith.constant 0 : i32
        %dma_start3A_573 = arith.constant 0 : i32
        %dma_start3A_574 = arith.constant 0 : i32
        %dma_start3A_575 = tpu.memref_slice %arg5[%dma_start3A_561, %dma_start3A_572, %dma_start3A_573, %dma_start3A_574] : memref<2x2x24x196xf32, #tpu.memory_space<vmem>> -> memref<1x2x24x196xf32, #tpu.memory_space<vmem>>
        %dma_start3A_576 = tpu.memref_squeeze %dma_start3A_575 : memref<1x2x24x196xf32, #tpu.memory_space<vmem>> -> memref<2x24x196xf32, #tpu.memory_space<vmem>>
        %dma_start3A_577 = arith.constant 0 : i32
        %dma_start3A_578 = tpu.memref_slice %arg2[%mul3A_560, %mul3A_2, %dma_start3A_577] : memref<80x768x196xf32, #tpu.memory_space<hbm>> -> memref<2x24x196xf32, #tpu.memory_space<hbm>>
        tpu.enqueue_dma source(%dma_start3A_578 : memref<2x24x196xf32, #tpu.memory_space<hbm>>) target(%dma_start3A_576 : memref<2x24x196xf32, #tpu.memory_space<vmem>>) target_semaphore(%dma_start3A_571 : memref<!tpu.dma_semaphore, #tpu.memory_space<semaphore_mem>>)
      } else {
      }
    }
    %scan3A_160 = arith.constant 20 : i32
    %rem3A = arith.constant 76 : i32
    %rem3A_161 = arith.constant 16 : i32
    %rem3A_162 = arith.remsi %rem3A, %rem3A_161 : i32
    %dma_wait3A = arith.constant 0 : i32
    %dma_wait3A_163 = arith.constant 4 : i32
    %dma_wait3A_164 = arith.constant 0 : i32
    %dma_wait3A_165 = arith.constant 0 : i32
    %dma_wait3A_166 = arith.constant 0 : i32
    %dma_wait3A_167 = arith.constant 0 : i32
    %dma_wait3A_168 = arith.constant 0 : i32
    %dma_wait3A_169 = tpu.memref_slice %arg7[%dma_wait3A, %dma_wait3A_166, %dma_wait3A_167, %dma_wait3A_168] : memref<2x2x24x196xf32, #tpu.memory_space<vmem>> -> memref<1x2x24x196xf32, #tpu.memory_space<vmem>>
    %dma_wait3A_170 = tpu.memref_squeeze %dma_wait3A_169 : memref<1x2x24x196xf32, #tpu.memory_space<vmem>> -> memref<2x24x196xf32, #tpu.memory_space<vmem>>
    %dma_wait3A_171 = arith.constant 0 : i32
    %dma_wait3A_172 = tpu.memref_slice %arg4[%dma_wait3A_163, %dma_wait3A_164, %rem3A_162, %mul3A_2, %dma_wait3A_171] : memref<5x2x16x768x196xf32, #tpu.memory_space<hbm>> -> memref<1x1x2x24x196xf32, #tpu.memory_space<hbm>>
    %dma_wait3A_173 = tpu.memref_squeeze %dma_wait3A_172 : memref<1x1x2x24x196xf32, #tpu.memory_space<hbm>> -> memref<2x24x196xf32, #tpu.memory_space<hbm>>
    %dma_wait3A_174 = tpu.memref_slice %arg10[%dma_wait3A_165] : memref<2x!tpu.dma_semaphore, #tpu.memory_space<semaphore_mem>> -> memref<1x!tpu.dma_semaphore, #tpu.memory_space<semaphore_mem>>
    %dma_wait3A_175 = tpu.memref_squeeze %dma_wait3A_174 : memref<1x!tpu.dma_semaphore, #tpu.memory_space<semaphore_mem>> -> memref<!tpu.dma_semaphore, #tpu.memory_space<semaphore_mem>>
    %dma_wait3A_176 = arith.constant 0 : i32
    %dma_wait3A_177 = tpu.memref_slice %arg4[%dma_wait3A_163, %dma_wait3A_164, %rem3A_162, %mul3A_2, %dma_wait3A_176] : memref<5x2x16x768x196xf32, #tpu.memory_space<hbm>> -> memref<1x1x2x24x196xf32, #tpu.memory_space<hbm>>
    %dma_wait3A_178 = tpu.memref_squeeze %dma_wait3A_177 : memref<1x1x2x24x196xf32, #tpu.memory_space<hbm>> -> memref<2x24x196xf32, #tpu.memory_space<hbm>>
    %dma_wait3A_179 = arith.constant 0 : i32
    %dma_wait3A_180 = arith.constant 0 : i32
    %dma_wait3A_181 = arith.constant 0 : i32
    %dma_wait3A_182 = tpu.memref_slice %arg7[%dma_wait3A, %dma_wait3A_179, %dma_wait3A_180, %dma_wait3A_181] : memref<2x2x24x196xf32, #tpu.memory_space<vmem>> -> memref<1x2x24x196xf32, #tpu.memory_space<vmem>>
    %dma_wait3A_183 = tpu.memref_squeeze %dma_wait3A_182 : memref<1x2x24x196xf32, #tpu.memory_space<vmem>> -> memref<2x24x196xf32, #tpu.memory_space<vmem>>
    tpu.wait_dma2 semaphore(%dma_wait3A_175 : memref<!tpu.dma_semaphore, #tpu.memory_space<semaphore_mem>>) src(%dma_wait3A_183 : memref<2x24x196xf32, #tpu.memory_space<vmem>>) dst(%dma_wait3A_178 : memref<2x24x196xf32, #tpu.memory_space<hbm>>)
    %rem3A_184 = arith.constant 76 : i32
    %rem3A_185 = arith.constant 16 : i32
    %rem3A_186 = arith.remsi %rem3A_184, %rem3A_185 : i32
    %dma_wait3A_187 = arith.constant 0 : i32
    %dma_wait3A_188 = arith.constant 4 : i32
    %dma_wait3A_189 = arith.constant 1 : i32
    %dma_wait3A_190 = arith.constant 0 : i32
    %dma_wait3A_191 = arith.constant 0 : i32
    %dma_wait3A_192 = arith.constant 0 : i32
    %dma_wait3A_193 = arith.constant 0 : i32
    %dma_wait3A_194 = tpu.memref_slice %arg7[%dma_wait3A_187, %dma_wait3A_191, %dma_wait3A_192, %dma_wait3A_193] : memref<2x2x24x196xf32, #tpu.memory_space<vmem>> -> memref<1x2x24x196xf32, #tpu.memory_space<vmem>>
    %dma_wait3A_195 = tpu.memref_squeeze %dma_wait3A_194 : memref<1x2x24x196xf32, #tpu.memory_space<vmem>> -> memref<2x24x196xf32, #tpu.memory_space<vmem>>
    %dma_wait3A_196 = arith.constant 0 : i32
    %dma_wait3A_197 = tpu.memref_slice %arg4[%dma_wait3A_188, %dma_wait3A_189, %rem3A_186, %mul3A_2, %dma_wait3A_196] : memref<5x2x16x768x196xf32, #tpu.memory_space<hbm>> -> memref<1x1x2x24x196xf32, #tpu.memory_space<hbm>>
    %dma_wait3A_198 = tpu.memref_squeeze %dma_wait3A_197 : memref<1x1x2x24x196xf32, #tpu.memory_space<hbm>> -> memref<2x24x196xf32, #tpu.memory_space<hbm>>
    %dma_wait3A_199 = tpu.memref_slice %arg10[%dma_wait3A_190] : memref<2x!tpu.dma_semaphore, #tpu.memory_space<semaphore_mem>> -> memref<1x!tpu.dma_semaphore, #tpu.memory_space<semaphore_mem>>
    %dma_wait3A_200 = tpu.memref_squeeze %dma_wait3A_199 : memref<1x!tpu.dma_semaphore, #tpu.memory_space<semaphore_mem>> -> memref<!tpu.dma_semaphore, #tpu.memory_space<semaphore_mem>>
    %dma_wait3A_201 = arith.constant 0 : i32
    %dma_wait3A_202 = tpu.memref_slice %arg4[%dma_wait3A_188, %dma_wait3A_189, %rem3A_186, %mul3A_2, %dma_wait3A_201] : memref<5x2x16x768x196xf32, #tpu.memory_space<hbm>> -> memref<1x1x2x24x196xf32, #tpu.memory_space<hbm>>
    %dma_wait3A_203 = tpu.memref_squeeze %dma_wait3A_202 : memref<1x1x2x24x196xf32, #tpu.memory_space<hbm>> -> memref<2x24x196xf32, #tpu.memory_space<hbm>>
    %dma_wait3A_204 = arith.constant 0 : i32
    %dma_wait3A_205 = arith.constant 0 : i32
    %dma_wait3A_206 = arith.constant 0 : i32
    %dma_wait3A_207 = tpu.memref_slice %arg7[%dma_wait3A_187, %dma_wait3A_204, %dma_wait3A_205, %dma_wait3A_206] : memref<2x2x24x196xf32, #tpu.memory_space<vmem>> -> memref<1x2x24x196xf32, #tpu.memory_space<vmem>>
    %dma_wait3A_208 = tpu.memref_squeeze %dma_wait3A_207 : memref<1x2x24x196xf32, #tpu.memory_space<vmem>> -> memref<2x24x196xf32, #tpu.memory_space<vmem>>
    tpu.wait_dma2 semaphore(%dma_wait3A_200 : memref<!tpu.dma_semaphore, #tpu.memory_space<semaphore_mem>>) src(%dma_wait3A_208 : memref<2x24x196xf32, #tpu.memory_space<vmem>>) dst(%dma_wait3A_203 : memref<2x24x196xf32, #tpu.memory_space<hbm>>)
    %rem3A_209 = arith.constant 78 : i32
    %rem3A_210 = arith.constant 16 : i32
    %rem3A_211 = arith.remsi %rem3A_209, %rem3A_210 : i32
    %dma_wait3A_212 = arith.constant 1 : i32
    %dma_wait3A_213 = arith.constant 4 : i32
    %dma_wait3A_214 = arith.constant 0 : i32
    %dma_wait3A_215 = arith.constant 1 : i32
    %dma_wait3A_216 = arith.constant 0 : i32
    %dma_wait3A_217 = arith.constant 0 : i32
    %dma_wait3A_218 = arith.constant 0 : i32
    %dma_wait3A_219 = tpu.memref_slice %arg7[%dma_wait3A_212, %dma_wait3A_216, %dma_wait3A_217, %dma_wait3A_218] : memref<2x2x24x196xf32, #tpu.memory_space<vmem>> -> memref<1x2x24x196xf32, #tpu.memory_space<vmem>>
    %dma_wait3A_220 = tpu.memref_squeeze %dma_wait3A_219 : memref<1x2x24x196xf32, #tpu.memory_space<vmem>> -> memref<2x24x196xf32, #tpu.memory_space<vmem>>
    %dma_wait3A_221 = arith.constant 0 : i32
    %dma_wait3A_222 = tpu.memref_slice %arg4[%dma_wait3A_213, %dma_wait3A_214, %rem3A_211, %mul3A_2, %dma_wait3A_221] : memref<5x2x16x768x196xf32, #tpu.memory_space<hbm>> -> memref<1x1x2x24x196xf32, #tpu.memory_space<hbm>>
    %dma_wait3A_223 = tpu.memref_squeeze %dma_wait3A_222 : memref<1x1x2x24x196xf32, #tpu.memory_space<hbm>> -> memref<2x24x196xf32, #tpu.memory_space<hbm>>
    %dma_wait3A_224 = tpu.memref_slice %arg10[%dma_wait3A_215] : memref<2x!tpu.dma_semaphore, #tpu.memory_space<semaphore_mem>> -> memref<1x!tpu.dma_semaphore, #tpu.memory_space<semaphore_mem>>
    %dma_wait3A_225 = tpu.memref_squeeze %dma_wait3A_224 : memref<1x!tpu.dma_semaphore, #tpu.memory_space<semaphore_mem>> -> memref<!tpu.dma_semaphore, #tpu.memory_space<semaphore_mem>>
    %dma_wait3A_226 = arith.constant 0 : i32
    %dma_wait3A_227 = tpu.memref_slice %arg4[%dma_wait3A_213, %dma_wait3A_214, %rem3A_211, %mul3A_2, %dma_wait3A_226] : memref<5x2x16x768x196xf32, #tpu.memory_space<hbm>> -> memref<1x1x2x24x196xf32, #tpu.memory_space<hbm>>
    %dma_wait3A_228 = tpu.memref_squeeze %dma_wait3A_227 : memref<1x1x2x24x196xf32, #tpu.memory_space<hbm>> -> memref<2x24x196xf32, #tpu.memory_space<hbm>>
    %dma_wait3A_229 = arith.constant 0 : i32
    %dma_wait3A_230 = arith.constant 0 : i32
    %dma_wait3A_231 = arith.constant 0 : i32
    %dma_wait3A_232 = tpu.memref_slice %arg7[%dma_wait3A_212, %dma_wait3A_229, %dma_wait3A_230, %dma_wait3A_231] : memref<2x2x24x196xf32, #tpu.memory_space<vmem>> -> memref<1x2x24x196xf32, #tpu.memory_space<vmem>>
    %dma_wait3A_233 = tpu.memref_squeeze %dma_wait3A_232 : memref<1x2x24x196xf32, #tpu.memory_space<vmem>> -> memref<2x24x196xf32, #tpu.memory_space<vmem>>
    tpu.wait_dma2 semaphore(%dma_wait3A_225 : memref<!tpu.dma_semaphore, #tpu.memory_space<semaphore_mem>>) src(%dma_wait3A_233 : memref<2x24x196xf32, #tpu.memory_space<vmem>>) dst(%dma_wait3A_228 : memref<2x24x196xf32, #tpu.memory_space<hbm>>)
    %rem3A_234 = arith.constant 78 : i32
    %rem3A_235 = arith.constant 16 : i32
    %rem3A_236 = arith.remsi %rem3A_234, %rem3A_235 : i32
    %dma_wait3A_237 = arith.constant 1 : i32
    %dma_wait3A_238 = arith.constant 4 : i32
    %dma_wait3A_239 = arith.constant 1 : i32
    %dma_wait3A_240 = arith.constant 1 : i32
    %dma_wait3A_241 = arith.constant 0 : i32
    %dma_wait3A_242 = arith.constant 0 : i32
    %dma_wait3A_243 = arith.constant 0 : i32
    %dma_wait3A_244 = tpu.memref_slice %arg7[%dma_wait3A_237, %dma_wait3A_241, %dma_wait3A_242, %dma_wait3A_243] : memref<2x2x24x196xf32, #tpu.memory_space<vmem>> -> memref<1x2x24x196xf32, #tpu.memory_space<vmem>>
    %dma_wait3A_245 = tpu.memref_squeeze %dma_wait3A_244 : memref<1x2x24x196xf32, #tpu.memory_space<vmem>> -> memref<2x24x196xf32, #tpu.memory_space<vmem>>
    %dma_wait3A_246 = arith.constant 0 : i32
    %dma_wait3A_247 = tpu.memref_slice %arg4[%dma_wait3A_238, %dma_wait3A_239, %rem3A_236, %mul3A_2, %dma_wait3A_246] : memref<5x2x16x768x196xf32, #tpu.memory_space<hbm>> -> memref<1x1x2x24x196xf32, #tpu.memory_space<hbm>>
    %dma_wait3A_248 = tpu.memref_squeeze %dma_wait3A_247 : memref<1x1x2x24x196xf32, #tpu.memory_space<hbm>> -> memref<2x24x196xf32, #tpu.memory_space<hbm>>
    %dma_wait3A_249 = tpu.memref_slice %arg10[%dma_wait3A_240] : memref<2x!tpu.dma_semaphore, #tpu.memory_space<semaphore_mem>> -> memref<1x!tpu.dma_semaphore, #tpu.memory_space<semaphore_mem>>
    %dma_wait3A_250 = tpu.memref_squeeze %dma_wait3A_249 : memref<1x!tpu.dma_semaphore, #tpu.memory_space<semaphore_mem>> -> memref<!tpu.dma_semaphore, #tpu.memory_space<semaphore_mem>>
    %dma_wait3A_251 = arith.constant 0 : i32
    %dma_wait3A_252 = tpu.memref_slice %arg4[%dma_wait3A_238, %dma_wait3A_239, %rem3A_236, %mul3A_2, %dma_wait3A_251] : memref<5x2x16x768x196xf32, #tpu.memory_space<hbm>> -> memref<1x1x2x24x196xf32, #tpu.memory_space<hbm>>
    %dma_wait3A_253 = tpu.memref_squeeze %dma_wait3A_252 : memref<1x1x2x24x196xf32, #tpu.memory_space<hbm>> -> memref<2x24x196xf32, #tpu.memory_space<hbm>>
    %dma_wait3A_254 = arith.constant 0 : i32
    %dma_wait3A_255 = arith.constant 0 : i32
    %dma_wait3A_256 = arith.constant 0 : i32
    %dma_wait3A_257 = tpu.memref_slice %arg7[%dma_wait3A_237, %dma_wait3A_254, %dma_wait3A_255, %dma_wait3A_256] : memref<2x2x24x196xf32, #tpu.memory_space<vmem>> -> memref<1x2x24x196xf32, #tpu.memory_space<vmem>>
    %dma_wait3A_258 = tpu.memref_squeeze %dma_wait3A_257 : memref<1x2x24x196xf32, #tpu.memory_space<vmem>> -> memref<2x24x196xf32, #tpu.memory_space<vmem>>
    tpu.wait_dma2 semaphore(%dma_wait3A_250 : memref<!tpu.dma_semaphore, #tpu.memory_space<semaphore_mem>>) src(%dma_wait3A_258 : memref<2x24x196xf32, #tpu.memory_space<vmem>>) dst(%dma_wait3A_253 : memref<2x24x196xf32, #tpu.memory_space<hbm>>)
    return
  }
}

</mosaic_0001>

<sc_bundles>
// kernel: kernel.3.cloned.1.call-start
scs
__scs_entry_jumppad:
0x0: {  	(pc) =	sbr.rel $0x88, $3  }
0x1: {  	(tag) =	ssettag $0x0;
	lr =	simm.s32 $0x1  }
0x2: {  	[smem:$0x3F9F] =	sst lr;
	_ =	strace $0xD0000000  }
0x3: {  	_ = 	snop  }
0x4: {  	_ = 	snop  }
0x5: {  	_ = 	snop  }
0x6: {  	_ = 	snop  }
0x7: {  	_ = 	snop  }
__scs_overlays_trampoline_lowered:
0x8: {  	[smem:$0x3FAE] =	sst s0  }
0x9: {  	[smem:$0x3FAF] =	sst s1  }
0xa: {  	[smem:$0x3FB0] =	sst s2  }
0xb: {  	[smem:$0x3FB1] =	sst s3  }
0xc: {  	[smem:$0x3FB2] =	sst s4  }
0xd: {  	[smem:$0x3FB3] =	sst s5  }
0xe: {  	[smem:$0x3FB4] =	sst s6  }
0xf: {  	[smem:$0x3FB5] =	sst s7  }
0x10: {  	[smem:$0x3FB6] =	sst s8  }
0x11: {  	[smem:$0x3FB7] =	sst s9;
	s0 =	simm.s32 @!p0 $0x0  }
0x12: {  	s1 =	sld [smem:$0x3F9D];
	s0 =	simm.s32 @p0 $0x1  }
0x13: {  	[smem:$0x3FB8] =	sst s0;
	s0 =	simm.s32 @!p1 $0x0  }
0x14: {  	s2 =	sld [smem:$0x3F9C];
	s0 =	simm.s32 @p1 $0x1  }
0x15: {  	[smem:$0x3FB9] =	sst s0;
	s0 =	simm.s32 @!p2 $0x0  }
0x16: {  	s3 =	sld [smem:$0x3FDB];
	s0 =	simm.s32 @p2 $0x1  }
0x17: {  	s4 =	simm.s32 $0x1BF5;
	[smem:$0x3FBB] =	sst s0  }
0x18: {  	s0 =	sld [smem:$0x3F9E];
	_ =	swait.ge [sflag:s4], $0x0  }
0x19: {  	s7 =	sld [smem:$0x3F9F]  }
0x1a: {  	s8 =	sadd.s32 $0xFFFFE003, lr  }
0x1b: {  	s9 =	sadd.s32 $0xFFFFFEF7, lr;
	s5 =	simm.s32 $0xFFFFFFFF;
	p2 =	slt.u32 s8, $0xFFFFF086  }
0x1c: {  	p1 =	slt.u32 s9, $0xF7A;
	s5 =	simm.s32 @!p2 $0x0  }
0x1d: {  	s5 =	simm.s32 @p1 $0x1;
	p0 =	seq.s32 s7, s2  }
0x1e: {  	s7 =	smul.u32 @!p0 $0xF7A, s2;
	p2 =	seq.s32 @!p0 s5, $0x0  }
0x1f: {  	s9 =	smul.u32 $0xF7A, s1;
	s8 =	simm.s32 @!p0 $0x1BF5;
	p2 =	por !p2, p0  }
0x20: {  	[sflag:s8] =	ssyncset.s32 @!p0 $0xFFFFF086;
	s6 =	sadd.s32 @!p0 s3, s7;
	s7 =	simm.s32 @!p0 $0x108  }
0x21: {  	s3 =	sadd.s32 s3, s9;
	s6 =	sadd.s32 @!p0 $0x88, s6;
	s7 =	simm.s32 @p2 $0x1082  }
0x22: {  	[simem:s7], [sflag:s8] =	dma.local @!p0 [hbm:s6], $0xF7A  }
0x23: {  	s9 =	sor.u32 $0xD0000000, s2;
	s6 =	simm.s32 $0x108;
	_ =	swait.ge @!p0 [sflag:s8], $0x0  }
0x24: {  	s3 =	sadd.s32 $0x88, s3;
	s6 =	simm.s32 @!p1 $0x1082;
	[sflag:s4] =	ssyncset.s32 $0xFFFFF086  }
0x25: {  	[simem:s6], [sflag:s4] =	dma.local [hbm:s3], $0xF7A  }
0x26: {  	[smem:$0x3F9F] =	sst s1;
	(tag) =	ssettag s2;
	_ =	strace s9  }
0x27: {  	s1 =	sld [smem:$0x3FAF]  }
0x28: {  	s2 =	sld [smem:$0x3FB0]  }
0x29: {  	s4 =	sld [smem:$0x3FB2]  }
0x2a: {  	p0 =	seq.s32 s5, $0x0;
	s5 =	sld [smem:$0x3FB3]  }
0x2b: {  	s6 =	sld [smem:$0x3FB4]  }
0x2c: {  	s7 =	sld [smem:$0x3FB5]  }
0x2d: {  	s3 =	simm.s32 $0x108;
	s8 =	sld [smem:$0x3FB6]  }
0x2e: {  	s3 =	simm.s32 @!p0 $0x1082;
	s9 =	sld [smem:$0x3FB7]  }
0x2f: {  	lr =	sadd.s32 s0, s3;
	s0 =	sld [smem:$0x3FAE]  }
0x30: {  	s3 =	sld [smem:$0x3FB1]  }
0x31: {  	[smem:$0x3FBA] =	sst s10  }
0x32: {  	s10 =	sld [smem:$0x3FB8];
	_ =	sdelay $0x3  }
0x33: {  	p0 =	seq.s32 s10, $0x1;
	s10 =	sld [smem:$0x3FBA];
	_ =	sdelay $0x3  }
0x34: {  	[smem:$0x3FBA] =	sst s10  }
0x35: {  	s10 =	sld [smem:$0x3FB9];
	_ =	sdelay $0x3  }
0x36: {  	p1 =	seq.s32 s10, $0x1;
	s10 =	sld [smem:$0x3FBA];
	_ =	sdelay $0x3  }
0x37: {  	[smem:$0x3FBA] =	sst s10  }
0x38: {  	s10 =	sld [smem:$0x3FBB]  }
0x39: {  	_ = 	snop;
	(pc) =	sbr.ind lr, $3  }
0x3a: {  	_ = 	snop  }
0x3b: {  	_ = 	snop  }
0x3c: {  	p2 =	seq.s32 s10, $0x1;
	s10 =	sld [smem:$0x3FBA]  }
0x3d: {  	_ =	shalt  }
0x3e: {  	_ =	shalt  }
0x3f: {  	_ =	shalt  }
0x40: {  	_ =	shalt  }
0x41: {  	_ =	shalt  }
0x42: {  	_ =	shalt  }
0x43: {  	_ =	shalt  }
0x44: {  	_ =	shalt  }
0x45: {  	_ =	shalt  }
0x46: {  	_ =	shalt  }
0x47: {  	_ =	shalt  }
0x48: {  	_ =	shalt  }
0x49: {  	_ =	shalt  }
0x4a: {  	_ =	shalt  }
0x4b: {  	_ =	shalt  }
0x4c: {  	_ =	shalt  }
0x4d: {  	_ =	shalt  }
0x4e: {  	_ =	shalt  }
0x4f: {  	_ =	shalt  }
0x50: {  	_ =	shalt  }
0x51: {  	_ =	shalt  }
0x52: {  	_ =	shalt  }
0x53: {  	_ =	shalt  }
0x54: {  	_ =	shalt  }
0x55: {  	_ =	shalt  }
0x56: {  	_ =	shalt  }
0x57: {  	_ =	shalt  }
0x58: {  	_ =	shalt  }
0x59: {  	_ =	shalt  }
0x5a: {  	_ =	shalt  }
0x5b: {  	_ =	shalt  }
0x5c: {  	_ =	shalt  }
0x5d: {  	_ =	shalt  }
0x5e: {  	_ =	shalt  }
0x5f: {  	_ =	shalt  }
0x60: {  	_ =	shalt  }
0x61: {  	_ =	shalt  }
0x62: {  	_ =	shalt  }
0x63: {  	_ =	shalt  }
0x64: {  	_ =	shalt  }
0x65: {  	_ =	shalt  }
0x66: {  	_ =	shalt  }
0x67: {  	_ =	shalt  }
0x68: {  	_ =	shalt  }
0x69: {  	_ =	shalt  }
0x6a: {  	_ =	shalt  }
0x6b: {  	_ =	shalt  }
0x6c: {  	_ =	shalt  }
0x6d: {  	_ =	shalt  }
0x6e: {  	_ =	shalt  }
0x6f: {  	_ =	shalt  }
0x70: {  	_ =	shalt  }
0x71: {  	_ =	shalt  }
0x72: {  	_ =	shalt  }
0x73: {  	_ =	shalt  }
0x74: {  	_ =	shalt  }
0x75: {  	_ =	shalt  }
0x76: {  	_ =	shalt  }
0x77: {  	_ =	shalt  }
0x78: {  	_ =	shalt  }
0x79: {  	_ =	shalt  }
0x7a: {  	_ =	shalt  }
0x7b: {  	_ =	shalt  }
0x7c: {  	_ =	shalt  }
0x7d: {  	_ =	shalt  }
0x7e: {  	_ =	shalt  }
0x7f: {  	_ =	shalt  }
0x80: {  	_ =	shalt  }
0x81: {  	_ =	shalt  }
0x82: {  	_ =	shalt  }
0x83: {  	_ =	shalt  }
0x84: {  	_ =	shalt  }
0x85: {  	_ =	shalt  }
0x86: {  	_ =	shalt  }
0x87: {  	_ =	shalt  }
.Lfunc_end0:
.L_simem_size_0:
called_computation_lowered:
.L_overlay_start_0:
0x88: {  	s2 =	sld [smem:$0x3FD9]  }
0x89: {  	s3 =	sld [smem:$0x3FFE];
	_ =	sdelay $0x1  }
0x8a: {  	s1 =	srdreg.scid  }
0x8b: {  	s0 =	sand.u32 $0x1, s1  }
0x8c: {  	s17 =	sshll.u32 s0, $0xA;
	s2 =	sadd.s32 s3, s2  }
0x8d: {  	s2 =	sadd.s32 s2, s17  }
0x8e: {  	[smem:$0x3FC6] =	sst s2  }
0x8f: {  	_ = 	snop  }
0x90: {  	s2 =	sld [smem:$0x3FD0];
	(tm) =	ssettm $0x1  }
0x91: {  	s18 =	sld [smem:$0x3FFB];
	_ =	sdelay $0x3  }
0x92: {  	_ =	strace s18  }
0x93: {  	s3 =	sld [smem:$0x3FFC];
	_ =	sdelay $0x3  }
0x94: {  	_ =	strace s3  }
0x95: {  	s3 =	sld [smem:$0x3FFD];
	_ =	sdelay $0x3  }
0x96: {  	_ =	strace s3  }
0x97: {  	_ =	strace $0x8FFFFFFF  }
0x98: {  	s19 =	sld [smem:$0x3FDB];
	_ =	sdelay $0x1  }
0x99: {  	s4 =	simm.s32 $_scs_section_size  }
0x9a: {  	s5 =	simm.s32 $_size__tile_overlayer_lowered;
	s6 =	simm.s32 $_tile_overlayer_lowered  }
0x9b: {  	s22 =	simm.s32 $0x1BFF;
	s21 =	sshll.u32 s6, $0x1;
	s3 =	sadd.s32 s4, s19  }
0x9c: {  	s7 =	simm.s32 $0x0;
	s20 =	sshll.u32 s5, $0x1;
	s5 =	sadd.s32 s21, s3  }
0x9d: {  	[timem:s7], [sflag:s22] =	dma.local [hbm:s5], s20  }
0x9e: {  	_ =	swait.ge [sflag:s22], s20  }
0x9f: {  	s4 =	ssub.s32 $0x0, s20;
	[sflag:s22] =	ssyncset.done $0x0  }
0xa0: {  	[sflag:s22] =	ssyncadd.s32 s4;
	_ =	sdelay $0x1  }
0xa1: {  	s23 =	simm.s32 $0x1B8B  }
0xa2: {  	_ =	swait.ge [sflag:s23], $0x1  }
0xa3: {  	[sflag:s23] =	ssyncset.done $0x0  }
0xa4: {  	s25 =	simm.s32 $0x1B8E;
	s24 =	sld [smem:$0x3FFE];
	[sflag:s23] =	ssyncadd.s32 $0xFFFFFFFF  }
0xa5: {  	s26 =	simm.s32 $execute0_lowered;
	[smem:$0x3FD2] =	sst s25  }
0xa6: {  	s5 =	sshll.u32 s26, $0x1;
	_ =	strace $0x80000046;
	[dreg:$0x1] =	wrdreg $0xFFFFFFFF  }
0xa7: {  	s28 =	simm.s32 $_size_execute0_lowered;
	s3 =	sadd.s32 s3, s5;
	[dreg:$0x0] =	wrdreg $0x0  }
0xa8: {  	s5 =	sshll.u32 s28, $0x1;
	[dreg:$0x2] =	wrdreg s3  }
0xa9: {  	[dreg:$0x3] =	wrdreg s5  }
0xaa: {  	[dreg:$0x4] =	wrdreg $0xC0  }
0xab: {  	_ =	task [dreg:s7], $0x5FFFF  }
0xac: {  	[dreg:$0x1] =	wrdreg $0xFFFFFFFF  }
0xad: {  	[dreg:$0x0] =	wrdreg $0x60  }
0xae: {  	[dreg:$0x2] =	wrdreg s2  }
0xaf: {  	[dreg:$0x3] =	wrdreg s24  }
0xb0: {  	[dreg:$0x4] =	wrdreg $0x9  }
0xb1: {  	_ =	task.clear_ibuf [dreg:s7], $0x5FFFF;
	_ =	strace $0x90000046  }
0xb2: {  	s29 =	simm.s32 $0x9;
	_ =	strace $0x80000048  }
0xb3: {  	_ =	swait.ge [sflag:s29], $0x1  }
0xb4: {  	[sflag:s29] =	ssyncadd.s32 $0xFFFFFFFF  }
0xb5: {  	_ =	strace $0x90000048  }
0xb6: {  	_ =	sfence  }
0xb7: {  	s30 =	sld [smem:$0x0];
	_ =	sdelay $0x2  }
0xb8: {  	s31 =	sshll.u32 s1, $0xD;
	s1 =	sshrl.u32 s1, $0x2  }
0xb9: {  	s3 =	sand.u32 $0x4000, s31;
	s1 =	sadd.s32 s1, s30  }
0xba: {  	s0 =	sor.u32 s3, s0;
	s1 =	sshll.u32 s1, $0x11  }
0xbb: {  	s0 =	sor.u32 s1, s0  }
0xbc: {  	s0 =	sadd.s32 $0x8F2B, s0  }
0xbd: {  	[sflag:s0] =	ssyncadd.remote.s32 $0x1  }
0xbe: {  	_ =	sfence.sel $0xFFFF  }
0xbf: {  	[dreg:$0x0] =	wrdreg $0xFFFFFFFF;
	(pc) =	sbr.abs _section_cstart, $3  }
0xc0: {  	[dreg:$0x1] =	wrdreg $0xFFFFFFFF  }
0xc1: {  	_ =	task.clear_ibuf [dreg:s7], $0x2FFFF;
	_ =	strace $0x9FFFFFFF  }
0xc2: {  	(tm) =	ssettm $0x7FFFFFFF  }
0xc3: {  	_ =	shalt  }
tec
execute0_lowered:
.L_overlay_start_1:
0x0: {  	(tag) =	ssettag $0x1  }
0x1: {  	s2 =	rddreg [dreg:$0x0]  }
0x2: {  	s0 =	srdreg.scid;
	s7 =	stileid.u32  }
0x3: {  	s1 =	rddreg [dreg:$0x1];
	s3 =	simm.s32 $0x0;
	s13 =	simm.s32 $0x6000  }
0x4: {  	s14 =	simm.s32 $0x1800;
	s15 =	simm.s32 $0x30000;
	s16 =	simm.s32 $0x3000  }
0x5: {  	s18 =	simm.s32 $0x2;
	s19 =	simm.s32 $0x15000;
	s20 =	simm.s32 $0x16800  }
0x6: {  	s21 =	simm.s32 $0x3;
	s22 =	simm.s32 $0x18000;
	s23 =	simm.s32 $0x4800  }
0x7: {  	s24 =	simm.s32 $0x19800;
	s0 =	sand.u32 $0x1, s0;
	s4 =	sshll.u32 s7, $0x1  }
0x8: {  	[smem:$0x7FF] =	sst s3;
	s5 =	sadd.s32 $0x400, s1;
	s7 =	smul.u32 $0x30, s7  }
0x9: {  	s4 =	sor.u32 s0, s4;
	s30 =	ssub.s32 $0x2, s0;
	s0 =	smul.u32 $0x18, s0  }
0xa: {  	s6 =	sadd.s32 $0x2200, s1;
	s4 =	smul.u32 $0x1800, s4;
	s8 =	sshrl.u32 s30, $0x1  }
.Ltmp0:
0xb: {  	_ =	strace $0x80000047;
	s1 =	ssub.s32 s30, s8;
	(pc) =	sbr.rel .LBB2_1-.Ltmp0, $4  }
0xc: {  	[dreg:$0x3] =	wrdreg s5;
	s31 =	sshrl.u32 s4, $0x3;
	s1 =	smax.u32 s1, $0x1  }
0xd: {  	s12 =	sadd.s32 s0, s7;
	s5 =	sadd.s32 s2, s31;
	[dreg:$0x6] =	wrdreg s1  }
0xe: {  	v0 =	vlaneseq.u32;
	s9 =	sor.u32 $0xC0000, s4;
	[dreg:$0x4] =	wrdreg s5;
	s5 =	sadd.s32 $0xC000, s5  }
0xf: {  	v0 =	vadd.s32 $0x434, v0;
	s10 =	sadd.s32 $0x120000, s4;
	[dreg:$0x5] =	wrdreg s5;
	s5 =	simm.s32 $0x0  }
.LBB2_12:
0x10: {  	s0 =	simm.s32 $0x4  }
0x11: {  	_ =	swait.ge [sflag:s0], $0x3000  }
0x12: {  	[sflag:s0] =	ssyncset.done $0x0  }
0x13: {  	[sflag:s0] =	ssyncadd.s32 $0xFFFFD000  }
0x14: {  	_ =	swait.ge [sflag:s0], $0x3000  }
0x15: {  	[sflag:s0] =	ssyncset.done $0x0  }
0x16: {  	s1 =	simm.s32 $0x5;
	[sflag:s0] =	ssyncadd.s32 $0xFFFFD000  }
0x17: {  	_ =	swait.ge [sflag:s1], $0x3000  }
0x18: {  	[sflag:s1] =	ssyncset.done $0x0  }
0x19: {  	[sflag:s1] =	ssyncadd.s32 $0xFFFFD000  }
0x1a: {  	_ =	swait.ge [sflag:s1], $0x3000  }
0x1b: {  	s5 =	rddreg [dreg:$0x7]  }
0x1c: {  	s31 =	rddreg [dreg:$0x6];
	s5 =	sadd.s32 $0x1, s5  }
0x1d: {  	p0 =	sne.s32 s5, s31  }
.Ltmp1:
0x1e: {  	_ = 	snop;
	(pc) =	sbr.rel @!p0 .LBB2_13-.Ltmp1, $3  }
0x1f: {  	_ =	sdelay $0x1  }
0x20: {  	[sflag:s1] =	ssyncset.done $0x0  }
0x21: {  	[sflag:s1] =	ssyncadd.s32 $0xFFFFD000  }
.LBB2_1:
0x22: {  	[dreg:$0x7] =	wrdreg s5  }
0x23: {  	s0 =	rddreg [dreg:$0x3]  }
0x24: {  	[tilespmem:s13], [sflag:$0x1] =	stream.linear.gather [hbm4b:s0+s3], $0xF000, $0x38;
	[tilespmem:$0x1B000] =	vst v63  }
0x25: {  	s28 =	rddreg [dreg:$0x4]  }
0x26: {  	[tilespmem:s3], [sflag:$0x2] =	stream.strided.gather [hbm4b:s28+s14], $0x3000, s15, s14, $0x38;
	[tilespmem:$0x1B000] =	vst v63  }
0x27: {  	s30 =	rddreg [dreg:$0x5];
	s31 =	simm.s32 $0x1  }
0x28: {  	[tilespmem:s16], [sflag:$0x3] =	stream.strided.gather [hbm4b:s30+s14], $0x3000, s15, s14, $0x38;
	[tilespmem:$0x1B000] =	vst v63  }
0x29: {  	_ =	swait.ge [sflag:s31], $0xF000  }
0x2a: {  	[sflag:s31] =	ssyncset.done $0x0  }
0x2b: {  	s29 =	simm.s32 $0x0;
	[sflag:s31] =	ssyncadd.s32 $0xFFFF1000  }
.LBB2_2:
0x2c: {  	s30 =	sshll.u32 s29, $0x2;
	_ =	swait.ge [sflag:s18], $0x3000  }
0x2d: {  	p0 =	seq.s32 s29, $0x0;
	[sflag:s18] =	ssyncset.done $0x0;
	v1 =	vmov s30  }
0x2e: {  	s1 =	sadd.s32 $0x0, s12;
	s0 =	simm.s32 @!p0 $0x4;
	[sflag:s18] =	ssyncadd.s32 $0xFFFFD000;
	v2 =	vshrl.u32 v1, $0x3  }
0x2f: {  	v4 =	vmov s1;
	v1 =	vshll.u32 v1, $0x7;
	_ =	swait.ge @!p0 [sflag:s0], $0x3000;
	v2 =	vmul.u32 $0x1800, v2  }
0x30: {  	v5 =	vshll.u32 v4, $0x3;
	v1 =	vand.u32 $0x200, v1;
	[sflag:s0] =	ssyncset.done @!p0 $0x0  }
0x31: {  	[sflag:s0] =	ssyncadd.s32 @!p0 $0xFFFFD000;
	v3 =	vor.u32 v1, v2;
	v1 =	vand.u32 $0x7FFFFC00, v5  }
0x32: {  	s8 =	simm.s32 $0x0;
	v2 =	vand.u32 $0x7F, v4;
	_ =	swait.ge @!p0 [sflag:s0], $0x3000;
	v1 =	vadd.s32 v3, v1  }
0x33: {  	s26 =	sand.u32 $0x1800, s8;
	s5 =	sand.u32 $0x380, s8;
	[sflag:s0] =	ssyncset.done @!p0 $0x0;
	v1 =	vor.u32 v2, v1  }
0x34: {  	s5 =	sor.u32 s5, s26;
	[sflag:s0] =	ssyncadd.s32 @!p0 $0xFFFFD000  }
0x35: {  	s28 =	sadd.s32 $0x1, s12;
	v7 =	vld [tilespmem:s5+$0x0]  }
0x36: {  	v4 =	vmov s28;
	v6 =	vld [tilespmem:s5+$0x20]  }
0x37: {  	v2 =	vshll.u32 v4, $0x3;
	v5 =	vld [tilespmem:s5+$0x50]  }
0x38: {  	s11 =	simm.s32 $0x80;
	s7 =	simm.s32 $0x100;
	v8 =	vand.u32 $0x7FFFFC00, v2;
	v2 =	vld.idx.msk [tilespmem:v1+s13+$0x0], $0xffff  }
0x39: {  	s31 =	sand.u32 $0x1800, s7;
	s25 =	sand.u32 $0x380, s11;
	v8 =	vadd.s32 v3, v8;
	v1 =	vand.u32 $0x7F, v4;
	v4 =	vld [tilespmem:s5+$0x10]  }
0x3a: {  	s17 =	simm.s32 $0x2;
	s1 =	sor.u32 s25, s31;
	s0 =	simm.s32 $0x1;
	v1 =	vor.u32 v1, v8;
	v8 =	vld [tilespmem:s5+$0x400]  }
.LBB2_3:
0x3b: {  	p1 =	sne.s32 s17, $0x17;
	s11 =	sadd.s32 $0x80, s11;
	s7 =	sadd.s32 $0x100, s7;
	v9 =	vld [tilespmem:s5+$0x410]  }
0x3c: {  	s25 =	smov.u32 s17;
	s17 =	sadd.s32 $0x1, s17;
	v10 =	vld [tilespmem:s5+$0x60]  }
0x3d: {  	v11 =	vld [tilespmem:s5+$0x70]  }
0x3e: {  	v7 =	vmul.f32 v7, v2;
	v4 =	vmul.f32 v4, v2;
	v12 =	vld [tilespmem:s5+$0x40]  }
0x3f: {  	v6 =	vmul.f32 v6, v2;
	v5 =	vmul.f32 v5, v2;
	v13 =	vld [tilespmem:s5+$0x30]  }
0x40: {  	[tilespmem:s5+$0x15000] =	vst v7;
	v7 =	vmul.f32 v8, v2;
	v8 =	vmul.f32 v9, v2;
	v9 =	vld [tilespmem:s5+$0x420]  }
0x41: {  	v14 =	vmov s8;
	s8 =	smov.u32 s0;
	s31 =	sadd.s32 s25, s12;
	s0 =	smov.u32 s25;
	[tilespmem:s5+$0x15020] =	vst v6;
	v6 =	vmul.f32 v10, v2;
	v10 =	vld [tilespmem:s5+$0x430]  }
0x42: {  	v15 =	vmov s31;
	[tilespmem:s5+$0x15050] =	vst v5;
	v5 =	vmul.f32 v11, v2;
	v11 =	vshll.u32 v14, $0x8  }
0x43: {  	v16 =	vshll.u32 v15, $0x3;
	v12 =	vmul.f32 v12, v2;
	[tilespmem:s5+$0x15060] =	vst v6;
	v6 =	vshll.u32 v14, $0x7  }
0x44: {  	v14 =	vand.u32 $0x7FFFFC00, v16;
	v13 =	vmul.f32 v13, v2;
	[tilespmem:s5+$0x15070] =	vst v5;
	v5 =	vand.u32 $0x1800, v11  }
0x45: {  	s25 =	sand.u32 $0x1800, s7;
	s31 =	sand.u32 $0x380, s11;
	v11 =	vand.u32 $0x7F, v15;
	v14 =	vadd.s32 v3, v14;
	v6 =	vand.u32 $0x380, v6;
	[tilespmem:s5+$0x15040] =	vst v12  }
0x46: {  	s25 =	sor.u32 s31, s25;
	v11 =	vor.u32 v11, v14;
	v9 =	vmul.f32 v9, v2;
	[tilespmem:s5+$0x15030] =	vst v13;
	v10 =	vmul.f32 v10, v2  }
0x47: {  	v5 =	vor.u32 v6, v5;
	[tilespmem:s5+$0x15400] =	vst v7  }
0x48: {  	v5 =	vor.u32 v0, v5;
	[tilespmem:s5+$0x15430] =	vst v10  }
0x49: {  	[tilespmem:s5+$0x15420] =	vst v9  }
0x4a: {  	[tilespmem:s5+$0x15410] =	vst v8  }
0x4b: {  	[tilespmem:s5+$0x15010] =	vst v4;
	s5 =	smov.u32 s1;
	s1 =	smov.u32 s25;
	_ =	sdelay $0x1  }
0x4c: {  	v4 =	vld.idx.msk [tilespmem:v5+s3+$0x0], $0xffff;
	_ =	sdelay $0x5  }
0x4d: {  	v2 =	vmul.f32 v4, v2;
	_ =	sdelay $0x1  }
0x4e: {  	[tilespmem:v5+s19+$0x0] =	vst.idx.msk $0xffff, v2  }
0x4f: {  	v7 =	vld [tilespmem:s5+$0x0]  }
.Ltmp2:
0x50: {  	v6 =	vld [tilespmem:s5+$0x20];
	(pc) =	sbr.rel @p1 .LBB2_3-.Ltmp2, $4  }
0x51: {  	v5 =	vld [tilespmem:s5+$0x50]  }
0x52: {  	v2 =	vld.idx.msk [tilespmem:v1+s13+$0x0], $0xffff;
	v1 =	vmov v11  }
0x53: {  	v4 =	vld [tilespmem:s5+$0x10]  }
0x54: {  	v8 =	vld [tilespmem:s5+$0x400]  }
0x55: {  	_ = 	snop  }
0x56: {  	v9 =	vld [tilespmem:s5+$0x60]  }
0x57: {  	v10 =	vld [tilespmem:s5+$0x70];
	v7 =	vmul.f32 v7, v2  }
0x58: {  	v11 =	vld [tilespmem:s5+$0x40];
	v6 =	vmul.f32 v6, v2  }
0x59: {  	v5 =	vmul.f32 v5, v2;
	[tilespmem:s5+$0x15000] =	vst v7  }
0x5a: {  	v12 =	vld [tilespmem:s5+$0x30];
	v4 =	vmul.f32 v4, v2;
	[tilespmem:s5+$0x15020] =	vst v6  }
0x5b: {  	v3 =	vld [tilespmem:s5+$0x410];
	[tilespmem:s5+$0x15050] =	vst v5;
	v6 =	vmul.f32 v9, v2  }
0x5c: {  	v7 =	vld [tilespmem:s5+$0x420];
	v5 =	vmul.f32 v10, v2;
	v10 =	vmov s8;
	[tilespmem:s5+$0x15010] =	vst v4  }
0x5d: {  	v9 =	vld [tilespmem:s5+$0x430];
	v11 =	vmul.f32 v11, v2;
	[tilespmem:s5+$0x15060] =	vst v6;
	v6 =	vshll.u32 v10, $0x8;
	v10 =	vshll.u32 v10, $0x7  }
0x5e: {  	[tilespmem:s5+$0x15070] =	vst v5;
	v5 =	vmul.f32 v8, v2;
	v6 =	vand.u32 $0x1800, v6;
	v8 =	vand.u32 $0x380, v10  }
0x5f: {  	v12 =	vmul.f32 v12, v2;
	[tilespmem:s5+$0x15040] =	vst v11;
	v6 =	vor.u32 v8, v6  }
0x60: {  	v3 =	vmul.f32 v3, v2;
	[tilespmem:s5+$0x15400] =	vst v5;
	v5 =	vor.u32 v0, v6  }
0x61: {  	[tilespmem:s5+$0x15030] =	vst v12;
	v7 =	vmul.f32 v7, v2  }
0x62: {  	[tilespmem:s5+$0x15410] =	vst v3;
	v9 =	vmul.f32 v9, v2  }
0x63: {  	[tilespmem:s5+$0x15420] =	vst v7  }
0x64: {  	[tilespmem:s5+$0x15430] =	vst v9  }
0x65: {  	v3 =	vld.idx.msk [tilespmem:v5+s3+$0x0], $0xffff;
	_ =	sdelay $0x4  }
0x66: {  	v2 =	vmul.f32 v3, v2;
	_ =	sdelay $0x1  }
0x67: {  	[tilespmem:v5+s19+$0x0] =	vst.idx.msk $0xffff, v2  }
0x68: {  	v2 =	vld [tilespmem:s1+$0x0]  }
0x69: {  	v1 =	vld.idx.msk [tilespmem:v1+s13+$0x0], $0xffff  }
0x6a: {  	v3 =	vld [tilespmem:s1+$0x20]  }
0x6b: {  	v4 =	vld [tilespmem:s1+$0x50]  }
0x6c: {  	v10 =	vld [tilespmem:s1+$0x40]  }
0x6d: {  	v8 =	vld [tilespmem:s1+$0x60]  }
0x6e: {  	v9 =	vld [tilespmem:s1+$0x70];
	v2 =	vmul.f32 v2, v1  }
0x6f: {  	v11 =	vld [tilespmem:s1+$0x30];
	v3 =	vmul.f32 v3, v1  }
0x70: {  	v6 =	vld [tilespmem:s1+$0x400];
	v4 =	vmul.f32 v4, v1;
	[tilespmem:s1+$0x15000] =	vst v2  }
0x71: {  	v5 =	vld [tilespmem:s1+$0x10];
	v10 =	vmul.f32 v10, v1;
	[tilespmem:s1+$0x15020] =	vst v3  }
0x72: {  	v3 =	vmul.f32 v8, v1;
	v8 =	vld [tilespmem:s1+$0x430];
	[tilespmem:s1+$0x15050] =	vst v4  }
0x73: {  	v2 =	vld [tilespmem:s1+$0x420];
	v4 =	vmul.f32 v9, v1;
	v9 =	vmov s0;
	[tilespmem:s1+$0x15040] =	vst v10  }
0x74: {  	v7 =	vld [tilespmem:s1+$0x410];
	v11 =	vmul.f32 v11, v1;
	[tilespmem:s1+$0x15060] =	vst v3;
	v3 =	vshll.u32 v9, $0x8;
	v9 =	vshll.u32 v9, $0x7  }
0x75: {  	[tilespmem:s1+$0x15070] =	vst v4;
	v4 =	vmul.f32 v6, v1;
	v3 =	vand.u32 $0x1800, v3;
	v6 =	vand.u32 $0x380, v9  }
0x76: {  	v5 =	vmul.f32 v5, v1;
	[tilespmem:s1+$0x15030] =	vst v11;
	v3 =	vor.u32 v6, v3  }
0x77: {  	[tilespmem:s1+$0x15400] =	vst v4;
	v8 =	vmul.f32 v8, v1;
	v4 =	vor.u32 v0, v3  }
0x78: {  	[tilespmem:s1+$0x15010] =	vst v5;
	v2 =	vmul.f32 v2, v1  }
0x79: {  	v3 =	vmul.f32 v7, v1;
	[tilespmem:s1+$0x15430] =	vst v8  }
0x7a: {  	[tilespmem:s1+$0x15420] =	vst v2  }
0x7b: {  	[tilespmem:s1+$0x15410] =	vst v3  }
0x7c: {  	s11 =	sor.u32 $0x1, s30;
	v2 =	vld.idx.msk [tilespmem:v4+s3+$0x0], $0xffff  }
0x7d: {  	v3 =	vmov s11  }
0x7e: {  	s17 =	sadd.s32 $0x0, s12;
	v5 =	vshrl.u32 v3, $0x3  }
0x7f: {  	v6 =	vmov s17;
	v3 =	vshll.u32 v3, $0x7;
	v5 =	vmul.u32 $0x1800, v5  }
0x80: {  	v7 =	vshll.u32 v6, $0x3;
	v3 =	vand.u32 $0x280, v3  }
0x81: {  	s8 =	simm.s32 $0x0;
	v3 =	vor.u32 v3, v5;
	v5 =	vand.u32 $0x7FFFFC00, v7;
	v1 =	vmul.f32 v2, v1  }
0x82: {  	s25 =	sand.u32 $0x1800, s8;
	s26 =	sand.u32 $0x380, s8;
	v5 =	vadd.s32 v3, v5;
	v2 =	vand.u32 $0x7F, v6  }
0x83: {  	s28 =	sadd.s32 $0x1, s12;
	s5 =	sor.u32 s26, s25;
	v2 =	vor.u32 v2, v5;
	[tilespmem:v4+s19+$0x0] =	vst.idx.msk $0xffff, v1  }
0x84: {  	v1 =	vmov s28;
	v7 =	vld [tilespmem:s5+$0x1800]  }
0x85: {  	v6 =	vld [tilespmem:s5+$0x1820];
	v4 =	vshll.u32 v1, $0x3  }
0x86: {  	v5 =	vld [tilespmem:s5+$0x1850];
	v4 =	vand.u32 $0x7FFFFC00, v4  }
0x87: {  	s7 =	simm.s32 $0x100;
	s11 =	simm.s32 $0x80;
	v8 =	vadd.s32 v3, v4;
	v4 =	vld [tilespmem:s5+$0x1810]  }
0x88: {  	s31 =	sand.u32 $0x1800, s7;
	s25 =	sand.u32 $0x380, s11;
	v1 =	vand.u32 $0x7F, v1;
	v2 =	vld.idx.msk [tilespmem:v2+s13+$0x0], $0xffff  }
0x89: {  	s0 =	simm.s32 $0x1;
	s17 =	simm.s32 $0x2;
	s1 =	sor.u32 s25, s31;
	v1 =	vor.u32 v1, v8;
	v8 =	vld [tilespmem:s5+$0x1C00]  }
.LBB2_5:
0x8a: {  	p1 =	sne.s32 s17, $0x17;
	s11 =	sadd.s32 $0x80, s11;
	s7 =	sadd.s32 $0x100, s7;
	v9 =	vld [tilespmem:s5+$0x1C10]  }
0x8b: {  	s25 =	smov.u32 s17;
	s17 =	sadd.s32 $0x1, s17;
	v10 =	vld [tilespmem:s5+$0x1860]  }
0x8c: {  	v11 =	vld [tilespmem:s5+$0x1870]  }
0x8d: {  	v7 =	vmul.f32 v7, v2;
	v4 =	vmul.f32 v4, v2;
	v12 =	vld [tilespmem:s5+$0x1840]  }
0x8e: {  	v6 =	vmul.f32 v6, v2;
	v5 =	vmul.f32 v5, v2;
	v13 =	vld [tilespmem:s5+$0x1830]  }
0x8f: {  	[tilespmem:s5+$0x16800] =	vst v7;
	v7 =	vmul.f32 v8, v2;
	v8 =	vmul.f32 v9, v2;
	v9 =	vld [tilespmem:s5+$0x1C20]  }
0x90: {  	v14 =	vmov s8;
	s8 =	smov.u32 s0;
	s31 =	sadd.s32 s25, s12;
	s0 =	smov.u32 s25;
	[tilespmem:s5+$0x16820] =	vst v6;
	v6 =	vmul.f32 v10, v2;
	v10 =	vld [tilespmem:s5+$0x1C30]  }
0x91: {  	v15 =	vmov s31;
	[tilespmem:s5+$0x16850] =	vst v5;
	v5 =	vmul.f32 v11, v2;
	v11 =	vshll.u32 v14, $0x8  }
0x92: {  	v16 =	vshll.u32 v15, $0x3;
	v12 =	vmul.f32 v12, v2;
	[tilespmem:s5+$0x16860] =	vst v6;
	v6 =	vshll.u32 v14, $0x7  }
0x93: {  	v14 =	vand.u32 $0x7FFFFC00, v16;
	v13 =	vmul.f32 v13, v2;
	[tilespmem:s5+$0x16870] =	vst v5;
	v5 =	vand.u32 $0x1800, v11  }
0x94: {  	s25 =	sand.u32 $0x1800, s7;
	s31 =	sand.u32 $0x380, s11;
	v11 =	vand.u32 $0x7F, v15;
	v14 =	vadd.s32 v3, v14;
	v6 =	vand.u32 $0x380, v6;
	[tilespmem:s5+$0x16840] =	vst v12  }
0x95: {  	s25 =	sor.u32 s31, s25;
	v11 =	vor.u32 v11, v14;
	v9 =	vmul.f32 v9, v2;
	[tilespmem:s5+$0x16830] =	vst v13;
	v10 =	vmul.f32 v10, v2  }
0x96: {  	v5 =	vor.u32 v6, v5;
	[tilespmem:s5+$0x16C00] =	vst v7  }
0x97: {  	v5 =	vor.u32 v0, v5;
	[tilespmem:s5+$0x16C30] =	vst v10  }
0x98: {  	[tilespmem:s5+$0x16C20] =	vst v9  }
0x99: {  	[tilespmem:s5+$0x16C10] =	vst v8  }
0x9a: {  	[tilespmem:s5+$0x16810] =	vst v4;
	s5 =	smov.u32 s1;
	s1 =	smov.u32 s25;
	_ =	sdelay $0x1  }
0x9b: {  	v4 =	vld.idx.msk [tilespmem:v5+s14+$0x0], $0xffff;
	_ =	sdelay $0x5  }
0x9c: {  	v2 =	vmul.f32 v4, v2;
	_ =	sdelay $0x1  }
0x9d: {  	[tilespmem:v5+s20+$0x0] =	vst.idx.msk $0xffff, v2  }
0x9e: {  	v7 =	vld [tilespmem:s5+$0x1800]  }
.Ltmp3:
0x9f: {  	v6 =	vld [tilespmem:s5+$0x1820];
	(pc) =	sbr.rel @p1 .LBB2_5-.Ltmp3, $4  }
0xa0: {  	v5 =	vld [tilespmem:s5+$0x1850]  }
0xa1: {  	v2 =	vld.idx.msk [tilespmem:v1+s13+$0x0], $0xffff;
	v1 =	vmov v11  }
0xa2: {  	v4 =	vld [tilespmem:s5+$0x1810]  }
0xa3: {  	v8 =	vld [tilespmem:s5+$0x1C00]  }
0xa4: {  	_ = 	snop  }
0xa5: {  	v9 =	vld [tilespmem:s5+$0x1860]  }
0xa6: {  	v10 =	vld [tilespmem:s5+$0x1870];
	v7 =	vmul.f32 v7, v2  }
0xa7: {  	v11 =	vld [tilespmem:s5+$0x1840];
	v6 =	vmul.f32 v6, v2  }
0xa8: {  	v5 =	vmul.f32 v5, v2;
	[tilespmem:s5+$0x16800] =	vst v7  }
0xa9: {  	v12 =	vld [tilespmem:s5+$0x1830];
	v4 =	vmul.f32 v4, v2;
	[tilespmem:s5+$0x16820] =	vst v6  }
0xaa: {  	v3 =	vld [tilespmem:s5+$0x1C10];
	[tilespmem:s5+$0x16850] =	vst v5;
	v6 =	vmul.f32 v9, v2  }
0xab: {  	v7 =	vld [tilespmem:s5+$0x1C20];
	v5 =	vmul.f32 v10, v2;
	v10 =	vmov s8;
	[tilespmem:s5+$0x16810] =	vst v4  }
0xac: {  	v9 =	vld [tilespmem:s5+$0x1C30];
	v11 =	vmul.f32 v11, v2;
	[tilespmem:s5+$0x16860] =	vst v6;
	v6 =	vshll.u32 v10, $0x8;
	v10 =	vshll.u32 v10, $0x7  }
0xad: {  	[tilespmem:s5+$0x16870] =	vst v5;
	v5 =	vmul.f32 v8, v2;
	v6 =	vand.u32 $0x1800, v6;
	v8 =	vand.u32 $0x380, v10  }
0xae: {  	v12 =	vmul.f32 v12, v2;
	[tilespmem:s5+$0x16840] =	vst v11;
	v6 =	vor.u32 v8, v6  }
0xaf: {  	v3 =	vmul.f32 v3, v2;
	[tilespmem:s5+$0x16C00] =	vst v5;
	v5 =	vor.u32 v0, v6  }
0xb0: {  	[tilespmem:s5+$0x16830] =	vst v12;
	v7 =	vmul.f32 v7, v2  }
0xb1: {  	[tilespmem:s5+$0x16C10] =	vst v3;
	v9 =	vmul.f32 v9, v2  }
0xb2: {  	[tilespmem:s5+$0x16C20] =	vst v7  }
0xb3: {  	[tilespmem:s5+$0x16C30] =	vst v9  }
0xb4: {  	v3 =	vld.idx.msk [tilespmem:v5+s14+$0x0], $0xffff;
	_ =	sdelay $0x4  }
0xb5: {  	v2 =	vmul.f32 v3, v2;
	_ =	sdelay $0x1  }
0xb6: {  	[tilespmem:v5+s20+$0x0] =	vst.idx.msk $0xffff, v2  }
0xb7: {  	v2 =	vld [tilespmem:s1+$0x1800]  }
0xb8: {  	v1 =	vld.idx.msk [tilespmem:v1+s13+$0x0], $0xffff  }
0xb9: {  	v3 =	vld [tilespmem:s1+$0x1820]  }
0xba: {  	v4 =	vld [tilespmem:s1+$0x1850]  }
0xbb: {  	v10 =	vld [tilespmem:s1+$0x1840]  }
0xbc: {  	v8 =	vld [tilespmem:s1+$0x1860]  }
0xbd: {  	v9 =	vld [tilespmem:s1+$0x1870];
	v2 =	vmul.f32 v2, v1  }
0xbe: {  	v11 =	vld [tilespmem:s1+$0x1830];
	v3 =	vmul.f32 v3, v1  }
0xbf: {  	v6 =	vld [tilespmem:s1+$0x1C00];
	v4 =	vmul.f32 v4, v1;
	[tilespmem:s1+$0x16800] =	vst v2  }
0xc0: {  	v5 =	vld [tilespmem:s1+$0x1810];
	v10 =	vmul.f32 v10, v1;
	[tilespmem:s1+$0x16820] =	vst v3  }
0xc1: {  	v7 =	vld [tilespmem:s1+$0x1C10];
	v3 =	vmul.f32 v8, v1;
	[tilespmem:s1+$0x16850] =	vst v4  }
0xc2: {  	v8 =	vld [tilespmem:s1+$0x1C30];
	v4 =	vmul.f32 v9, v1;
	v9 =	vmov s0;
	[tilespmem:s1+$0x16840] =	vst v10  }
0xc3: {  	v11 =	vmul.f32 v11, v1;
	v2 =	vld [tilespmem:s1+$0x1C20];
	[tilespmem:s1+$0x16860] =	vst v3;
	v3 =	vshll.u32 v9, $0x8;
	v9 =	vshll.u32 v9, $0x7  }
0xc4: {  	[tilespmem:s1+$0x16870] =	vst v4;
	v4 =	vmul.f32 v6, v1;
	v3 =	vand.u32 $0x1800, v3;
	v6 =	vand.u32 $0x380, v9  }
0xc5: {  	v5 =	vmul.f32 v5, v1;
	[tilespmem:s1+$0x16830] =	vst v11;
	v3 =	vor.u32 v6, v3  }
0xc6: {  	[tilespmem:s1+$0x16C00] =	vst v4;
	v4 =	vmul.f32 v7, v1;
	v3 =	vor.u32 v0, v3  }
0xc7: {  	[tilespmem:s1+$0x16810] =	vst v5;
	v8 =	vmul.f32 v8, v1  }
0xc8: {  	v2 =	vmul.f32 v2, v1;
	[tilespmem:s1+$0x16C10] =	vst v4  }
0xc9: {  	[tilespmem:s1+$0x16C30] =	vst v8  }
0xca: {  	[tilespmem:s1+$0x16C20] =	vst v2  }
0xcb: {  	s7 =	sshrl.u32 s29, $0x2;
	v2 =	vld.idx.msk [tilespmem:v3+s14+$0x0], $0xffff  }
0xcc: {  	s31 =	smul.u32 $0x600000, s7;
	s8 =	sand.u32 $0xC, s30  }
0xcd: {  	s0 =	smul.u32 $0x30000, s8;
	_ =	sdelay $0x1  }
0xce: {  	s0 =	sadd.s32 s31, s0  }
0xcf: {  	s0 =	sor.u32 s4, s0;
	v1 =	vmul.f32 v2, v1  }
0xd0: {  	s0 =	sshrl.u32 s0, $0x3  }
0xd1: {  	p1 =	seq.s32 s29, $0x13;
	s0 =	sadd.s32 s6, s0;
	[tilespmem:v3+s20+$0x0] =	vst.idx.msk $0xffff, v1  }
0xd2: {  	[hbm4b:s0+s14] =	stream.strided.scatter [tilespmem:s19], [sflag:$0x4], $0x3000, s15, s14, $0x38;
	[tilespmem:$0x1B000] =	vst v63  }
0xd3: {  	s1 =	smul.u32 @!p1 $0xC0000, s29;
	s0 =	sadd.s32 $0x60000, s0  }
0xd4: {  	[hbm4b:s0+s14] =	stream.strided.scatter [tilespmem:s19], [sflag:$0x4], $0x3000, s15, s14, $0x38;
	[tilespmem:$0x1B000] =	vst v63  }
0xd5: {  	s0 =	sadd.s32 @!p1 s9, s1  }
0xd6: {  	s7 =	simm.s32 @!p1 $0x0;
	s0 =	sshrl.u32 @!p1 s0, $0x3  }
0xd7: {  	s5 =	simm.s32 @!p1 $0x30000;
	s1 =	simm.s32 @!p1 $0x1800;
	s0 =	sadd.s32 @!p1 s2, s0  }
0xd8: {  	[tilespmem:s7], [sflag:$0x2] =	stream.strided.gather @!p1 [hbm4b:s0+s1], $0x3000, s5, s1, $0x38;
	[tilespmem:$0x1B000] =	vst v63  }
0xd9: {  	s1 =	sor.u32 $0x2, s30;
	_ =	swait.ge [sflag:s21], $0x3000  }
0xda: {  	v1 =	vmov s1;
	[sflag:s21] =	ssyncset.done $0x0  }
0xdb: {  	s11 =	sadd.s32 $0x0, s12;
	s0 =	simm.s32 @!p0 $0x5;
	v2 =	vshrl.u32 v1, $0x3;
	[sflag:s21] =	ssyncadd.s32 $0xFFFFD000  }
0xdc: {  	v4 =	vmov s11;
	v1 =	vshll.u32 v1, $0x7;
	v2 =	vmul.u32 $0x1800, v2;
	_ =	swait.ge @!p0 [sflag:s0], $0x3000  }
0xdd: {  	v5 =	vshll.u32 v4, $0x3;
	v1 =	vand.u32 $0x300, v1;
	[sflag:s0] =	ssyncset.done @!p0 $0x0  }
0xde: {  	v3 =	vor.u32 v1, v2;
	v1 =	vand.u32 $0x7FFFFC00, v5;
	[sflag:s0] =	ssyncadd.s32 @!p0 $0xFFFFD000  }
0xdf: {  	s11 =	simm.s32 $0x0;
	v2 =	vand.u32 $0x7F, v4;
	v1 =	vadd.s32 v3, v1;
	_ =	swait.ge @!p0 [sflag:s0], $0x3000  }
0xe0: {  	s17 =	sand.u32 $0x1800, s11;
	s25 =	sand.u32 $0x380, s11;
	v1 =	vor.u32 v2, v1;
	[sflag:s0] =	ssyncset.done @!p0 $0x0  }
0xe1: {  	s8 =	sor.u32 s25, s17;
	[sflag:s0] =	ssyncadd.s32 @!p0 $0xFFFFD000  }
0xe2: {  	s26 =	sadd.s32 $0x1, s12;
	v7 =	vld [tilespmem:s8+$0x3000]  }
0xe3: {  	v4 =	vmov s26;
	v6 =	vld [tilespmem:s8+$0x3020]  }
0xe4: {  	v2 =	vshll.u32 v4, $0x3;
	v5 =	vld [tilespmem:s8+$0x3050]  }
0xe5: {  	s17 =	simm.s32 $0x100;
	s7 =	simm.s32 $0x80;
	v8 =	vand.u32 $0x7FFFFC00, v2;
	v2 =	vld.idx.msk [tilespmem:v1+s13+$0x0], $0xffff  }
0xe6: {  	s28 =	sand.u32 $0x1800, s17;
	s26 =	sand.u32 $0x380, s7;
	v8 =	vadd.s32 v3, v8;
	v1 =	vand.u32 $0x7F, v4;
	v4 =	vld [tilespmem:s8+$0x3010]  }
0xe7: {  	s25 =	simm.s32 $0x2;
	s5 =	simm.s32 $0x1;
	s0 =	sor.u32 s26, s28;
	v1 =	vor.u32 v1, v8;
	v8 =	vld [tilespmem:s8+$0x3400]  }
.LBB2_7:
0xe8: {  	p0 =	sne.s32 s25, $0x17;
	s7 =	sadd.s32 $0x80, s7;
	s17 =	sadd.s32 $0x100, s17;
	v9 =	vld [tilespmem:s8+$0x3410]  }
0xe9: {  	s26 =	smov.u32 s25;
	s25 =	sadd.s32 $0x1, s25;
	v10 =	vld [tilespmem:s8+$0x3060]  }
0xea: {  	v11 =	vld [tilespmem:s8+$0x3070]  }
0xeb: {  	v7 =	vmul.f32 v7, v2;
	v4 =	vmul.f32 v4, v2;
	v12 =	vld [tilespmem:s8+$0x3040]  }
0xec: {  	v6 =	vmul.f32 v6, v2;
	v5 =	vmul.f32 v5, v2;
	v13 =	vld [tilespmem:s8+$0x3030]  }
0xed: {  	[tilespmem:s8+$0x18000] =	vst v7;
	v7 =	vmul.f32 v8, v2;
	v8 =	vmul.f32 v9, v2;
	v9 =	vld [tilespmem:s8+$0x3420]  }
0xee: {  	v14 =	vmov s11;
	s11 =	smov.u32 s5;
	s28 =	sadd.s32 s26, s12;
	s5 =	smov.u32 s26;
	[tilespmem:s8+$0x18020] =	vst v6;
	v6 =	vmul.f32 v10, v2;
	v10 =	vld [tilespmem:s8+$0x3430]  }
0xef: {  	v15 =	vmov s28;
	[tilespmem:s8+$0x18050] =	vst v5;
	v5 =	vmul.f32 v11, v2;
	v11 =	vshll.u32 v14, $0x8  }
0xf0: {  	v16 =	vshll.u32 v15, $0x3;
	v12 =	vmul.f32 v12, v2;
	[tilespmem:s8+$0x18060] =	vst v6;
	v6 =	vshll.u32 v14, $0x7  }
0xf1: {  	v14 =	vand.u32 $0x7FFFFC00, v16;
	v13 =	vmul.f32 v13, v2;
	[tilespmem:s8+$0x18070] =	vst v5;
	v5 =	vand.u32 $0x1800, v11  }
0xf2: {  	s26 =	sand.u32 $0x1800, s17;
	s28 =	sand.u32 $0x380, s7;
	v11 =	vand.u32 $0x7F, v15;
	v14 =	vadd.s32 v3, v14;
	v6 =	vand.u32 $0x380, v6;
	[tilespmem:s8+$0x18040] =	vst v12  }
0xf3: {  	s26 =	sor.u32 s28, s26;
	v11 =	vor.u32 v11, v14;
	v9 =	vmul.f32 v9, v2;
	[tilespmem:s8+$0x18030] =	vst v13;
	v10 =	vmul.f32 v10, v2  }
0xf4: {  	v5 =	vor.u32 v6, v5;
	[tilespmem:s8+$0x18400] =	vst v7  }
0xf5: {  	v5 =	vor.u32 v0, v5;
	[tilespmem:s8+$0x18430] =	vst v10  }
0xf6: {  	[tilespmem:s8+$0x18420] =	vst v9  }
0xf7: {  	[tilespmem:s8+$0x18410] =	vst v8  }
0xf8: {  	[tilespmem:s8+$0x18010] =	vst v4;
	s8 =	smov.u32 s0;
	s0 =	smov.u32 s26;
	_ =	sdelay $0x1  }
0xf9: {  	v4 =	vld.idx.msk [tilespmem:v5+s16+$0x0], $0xffff;
	_ =	sdelay $0x5  }
0xfa: {  	v2 =	vmul.f32 v4, v2;
	_ =	sdelay $0x1  }
0xfb: {  	[tilespmem:v5+s22+$0x0] =	vst.idx.msk $0xffff, v2  }
0xfc: {  	v7 =	vld [tilespmem:s8+$0x3000]  }
.Ltmp4:
0xfd: {  	v6 =	vld [tilespmem:s8+$0x3020];
	(pc) =	sbr.rel @p0 .LBB2_7-.Ltmp4, $4  }
0xfe: {  	v5 =	vld [tilespmem:s8+$0x3050]  }
0xff: {  	v2 =	vld.idx.msk [tilespmem:v1+s13+$0x0], $0xffff;
	v1 =	vmov v11  }
0x100: {  	v4 =	vld [tilespmem:s8+$0x3010]  }
0x101: {  	v8 =	vld [tilespmem:s8+$0x3400]  }
0x102: {  	_ = 	snop  }
0x103: {  	v9 =	vld [tilespmem:s8+$0x3060]  }
0x104: {  	v10 =	vld [tilespmem:s8+$0x3070];
	v7 =	vmul.f32 v7, v2  }
0x105: {  	v11 =	vld [tilespmem:s8+$0x3040];
	v6 =	vmul.f32 v6, v2  }
0x106: {  	v5 =	vmul.f32 v5, v2;
	[tilespmem:s8+$0x18000] =	vst v7  }
0x107: {  	v12 =	vld [tilespmem:s8+$0x3030];
	v4 =	vmul.f32 v4, v2;
	[tilespmem:s8+$0x18020] =	vst v6  }
0x108: {  	v3 =	vld [tilespmem:s8+$0x3410];
	[tilespmem:s8+$0x18050] =	vst v5;
	v6 =	vmul.f32 v9, v2  }
0x109: {  	v7 =	vld [tilespmem:s8+$0x3420];
	v5 =	vmul.f32 v10, v2;
	v10 =	vmov s11;
	[tilespmem:s8+$0x18010] =	vst v4  }
0x10a: {  	v9 =	vld [tilespmem:s8+$0x3430];
	v11 =	vmul.f32 v11, v2;
	[tilespmem:s8+$0x18060] =	vst v6;
	v6 =	vshll.u32 v10, $0x8;
	v10 =	vshll.u32 v10, $0x7  }
0x10b: {  	[tilespmem:s8+$0x18070] =	vst v5;
	v5 =	vmul.f32 v8, v2;
	v6 =	vand.u32 $0x1800, v6;
	v8 =	vand.u32 $0x380, v10  }
0x10c: {  	v12 =	vmul.f32 v12, v2;
	[tilespmem:s8+$0x18040] =	vst v11;
	v6 =	vor.u32 v8, v6  }
0x10d: {  	v3 =	vmul.f32 v3, v2;
	[tilespmem:s8+$0x18400] =	vst v5;
	v5 =	vor.u32 v0, v6  }
0x10e: {  	[tilespmem:s8+$0x18030] =	vst v12;
	v7 =	vmul.f32 v7, v2  }
0x10f: {  	[tilespmem:s8+$0x18410] =	vst v3;
	v9 =	vmul.f32 v9, v2  }
0x110: {  	[tilespmem:s8+$0x18420] =	vst v7  }
0x111: {  	[tilespmem:s8+$0x18430] =	vst v9  }
0x112: {  	v3 =	vld.idx.msk [tilespmem:v5+s16+$0x0], $0xffff;
	_ =	sdelay $0x4  }
0x113: {  	v2 =	vmul.f32 v3, v2;
	_ =	sdelay $0x1  }
0x114: {  	[tilespmem:v5+s22+$0x0] =	vst.idx.msk $0xffff, v2  }
0x115: {  	v2 =	vld [tilespmem:s0+$0x3000]  }
0x116: {  	v1 =	vld.idx.msk [tilespmem:v1+s13+$0x0], $0xffff  }
0x117: {  	v3 =	vld [tilespmem:s0+$0x3020]  }
0x118: {  	v4 =	vld [tilespmem:s0+$0x3050]  }
0x119: {  	v10 =	vld [tilespmem:s0+$0x3040]  }
0x11a: {  	v8 =	vld [tilespmem:s0+$0x3060]  }
0x11b: {  	v9 =	vld [tilespmem:s0+$0x3070];
	v2 =	vmul.f32 v2, v1  }
0x11c: {  	v11 =	vld [tilespmem:s0+$0x3030];
	v3 =	vmul.f32 v3, v1  }
0x11d: {  	v6 =	vld [tilespmem:s0+$0x3400];
	v4 =	vmul.f32 v4, v1;
	[tilespmem:s0+$0x18000] =	vst v2  }
0x11e: {  	v5 =	vld [tilespmem:s0+$0x3010];
	v10 =	vmul.f32 v10, v1;
	[tilespmem:s0+$0x18020] =	vst v3  }
0x11f: {  	v3 =	vmul.f32 v8, v1;
	v8 =	vld [tilespmem:s0+$0x3430];
	[tilespmem:s0+$0x18050] =	vst v4  }
0x120: {  	v2 =	vld [tilespmem:s0+$0x3420];
	v4 =	vmul.f32 v9, v1;
	v9 =	vmov s5;
	[tilespmem:s0+$0x18040] =	vst v10  }
0x121: {  	v7 =	vld [tilespmem:s0+$0x3410];
	v11 =	vmul.f32 v11, v1;
	[tilespmem:s0+$0x18060] =	vst v3;
	v3 =	vshll.u32 v9, $0x8;
	v9 =	vshll.u32 v9, $0x7  }
0x122: {  	[tilespmem:s0+$0x18070] =	vst v4;
	v4 =	vmul.f32 v6, v1;
	v3 =	vand.u32 $0x1800, v3;
	v6 =	vand.u32 $0x380, v9  }
0x123: {  	v5 =	vmul.f32 v5, v1;
	[tilespmem:s0+$0x18030] =	vst v11;
	v3 =	vor.u32 v6, v3  }
0x124: {  	[tilespmem:s0+$0x18400] =	vst v4;
	v8 =	vmul.f32 v8, v1;
	v4 =	vor.u32 v0, v3  }
0x125: {  	[tilespmem:s0+$0x18010] =	vst v5;
	v2 =	vmul.f32 v2, v1  }
0x126: {  	v3 =	vmul.f32 v7, v1;
	[tilespmem:s0+$0x18430] =	vst v8  }
0x127: {  	[tilespmem:s0+$0x18420] =	vst v2  }
0x128: {  	[tilespmem:s0+$0x18410] =	vst v3  }
0x129: {  	s11 =	sor.u32 $0x3, s30;
	v2 =	vld.idx.msk [tilespmem:v4+s16+$0x0], $0xffff  }
0x12a: {  	v3 =	vmov s11  }
0x12b: {  	s17 =	sadd.s32 $0x0, s12;
	v5 =	vshrl.u32 v3, $0x3  }
0x12c: {  	v6 =	vmov s17;
	v3 =	vshll.u32 v3, $0x7;
	v5 =	vmul.u32 $0x1800, v5  }
0x12d: {  	v7 =	vshll.u32 v6, $0x3;
	v3 =	vand.u32 $0x380, v3  }
0x12e: {  	s11 =	simm.s32 $0x0;
	v3 =	vor.u32 v3, v5;
	v5 =	vand.u32 $0x7FFFFC00, v7;
	v1 =	vmul.f32 v2, v1  }
0x12f: {  	s25 =	sand.u32 $0x1800, s11;
	s26 =	sand.u32 $0x380, s11;
	v5 =	vadd.s32 v3, v5;
	v2 =	vand.u32 $0x7F, v6  }
0x130: {  	s28 =	sadd.s32 $0x1, s12;
	s8 =	sor.u32 s26, s25;
	v2 =	vor.u32 v2, v5;
	[tilespmem:v4+s22+$0x0] =	vst.idx.msk $0xffff, v1  }
0x131: {  	v1 =	vmov s28;
	v7 =	vld [tilespmem:s8+$0x4800]  }
0x132: {  	v6 =	vld [tilespmem:s8+$0x4820];
	v4 =	vshll.u32 v1, $0x3  }
0x133: {  	v5 =	vld [tilespmem:s8+$0x4850];
	v4 =	vand.u32 $0x7FFFFC00, v4  }
0x134: {  	s7 =	simm.s32 $0x80;
	s17 =	simm.s32 $0x100;
	v8 =	vadd.s32 v3, v4;
	v4 =	vld [tilespmem:s8+$0x4810]  }
0x135: {  	s30 =	sand.u32 $0x1800, s17;
	s26 =	sand.u32 $0x380, s7;
	v1 =	vand.u32 $0x7F, v1;
	v2 =	vld.idx.msk [tilespmem:v2+s13+$0x0], $0xffff  }
0x136: {  	s5 =	simm.s32 $0x1;
	s25 =	simm.s32 $0x2;
	s0 =	sor.u32 s26, s30;
	v1 =	vor.u32 v1, v8;
	v8 =	vld [tilespmem:s8+$0x4C00]  }
.LBB2_9:
0x137: {  	p0 =	sne.s32 s25, $0x17;
	s7 =	sadd.s32 $0x80, s7;
	s17 =	sadd.s32 $0x100, s17;
	v9 =	vld [tilespmem:s8+$0x4C10]  }
0x138: {  	s26 =	smov.u32 s25;
	s25 =	sadd.s32 $0x1, s25;
	v10 =	vld [tilespmem:s8+$0x4860]  }
0x139: {  	v11 =	vld [tilespmem:s8+$0x4870]  }
0x13a: {  	v7 =	vmul.f32 v7, v2;
	v4 =	vmul.f32 v4, v2;
	v12 =	vld [tilespmem:s8+$0x4840]  }
0x13b: {  	v6 =	vmul.f32 v6, v2;
	v5 =	vmul.f32 v5, v2;
	v13 =	vld [tilespmem:s8+$0x4830]  }
0x13c: {  	[tilespmem:s8+$0x19800] =	vst v7;
	v7 =	vmul.f32 v8, v2;
	v8 =	vmul.f32 v9, v2;
	v9 =	vld [tilespmem:s8+$0x4C20]  }
0x13d: {  	v14 =	vmov s11;
	s11 =	smov.u32 s5;
	s28 =	sadd.s32 s26, s12;
	s5 =	smov.u32 s26;
	[tilespmem:s8+$0x19820] =	vst v6;
	v6 =	vmul.f32 v10, v2;
	v10 =	vld [tilespmem:s8+$0x4C30]  }
0x13e: {  	v15 =	vmov s28;
	[tilespmem:s8+$0x19850] =	vst v5;
	v5 =	vmul.f32 v11, v2;
	v11 =	vshll.u32 v14, $0x8  }
0x13f: {  	v16 =	vshll.u32 v15, $0x3;
	v12 =	vmul.f32 v12, v2;
	[tilespmem:s8+$0x19860] =	vst v6;
	v6 =	vshll.u32 v14, $0x7  }
0x140: {  	v14 =	vand.u32 $0x7FFFFC00, v16;
	v13 =	vmul.f32 v13, v2;
	[tilespmem:s8+$0x19870] =	vst v5;
	v5 =	vand.u32 $0x1800, v11  }
0x141: {  	s26 =	sand.u32 $0x1800, s17;
	s28 =	sand.u32 $0x380, s7;
	v11 =	vand.u32 $0x7F, v15;
	v14 =	vadd.s32 v3, v14;
	v6 =	vand.u32 $0x380, v6;
	[tilespmem:s8+$0x19840] =	vst v12  }
0x142: {  	s26 =	sor.u32 s28, s26;
	v11 =	vor.u32 v11, v14;
	v9 =	vmul.f32 v9, v2;
	[tilespmem:s8+$0x19830] =	vst v13;
	v10 =	vmul.f32 v10, v2  }
0x143: {  	v5 =	vor.u32 v6, v5;
	[tilespmem:s8+$0x19C00] =	vst v7  }
0x144: {  	v5 =	vor.u32 v0, v5;
	[tilespmem:s8+$0x19C30] =	vst v10  }
0x145: {  	[tilespmem:s8+$0x19C20] =	vst v9  }
0x146: {  	[tilespmem:s8+$0x19C10] =	vst v8  }
0x147: {  	[tilespmem:s8+$0x19810] =	vst v4;
	s8 =	smov.u32 s0;
	s0 =	smov.u32 s26;
	_ =	sdelay $0x1  }
0x148: {  	v4 =	vld.idx.msk [tilespmem:v5+s23+$0x0], $0xffff;
	_ =	sdelay $0x5  }
0x149: {  	v2 =	vmul.f32 v4, v2;
	_ =	sdelay $0x1  }
0x14a: {  	[tilespmem:v5+s24+$0x0] =	vst.idx.msk $0xffff, v2  }
0x14b: {  	v7 =	vld [tilespmem:s8+$0x4800]  }
.Ltmp5:
0x14c: {  	v6 =	vld [tilespmem:s8+$0x4820];
	(pc) =	sbr.rel @p0 .LBB2_9-.Ltmp5, $4  }
0x14d: {  	v5 =	vld [tilespmem:s8+$0x4850]  }
0x14e: {  	v2 =	vld.idx.msk [tilespmem:v1+s13+$0x0], $0xffff;
	v1 =	vmov v11  }
0x14f: {  	v4 =	vld [tilespmem:s8+$0x4810]  }
0x150: {  	v8 =	vld [tilespmem:s8+$0x4C00]  }
0x151: {  	_ =	sdelay $0x1  }
0x152: {  	v9 =	vld [tilespmem:s8+$0x4860];
	v7 =	vmul.f32 v7, v2  }
0x153: {  	v10 =	vld [tilespmem:s8+$0x4870];
	v6 =	vmul.f32 v6, v2  }
0x154: {  	v11 =	vld [tilespmem:s8+$0x4840];
	v5 =	vmul.f32 v5, v2;
	[tilespmem:s8+$0x19800] =	vst v7  }
0x155: {  	v12 =	vld [tilespmem:s8+$0x4830];
	v4 =	vmul.f32 v4, v2;
	[tilespmem:s8+$0x19820] =	vst v6  }
0x156: {  	v48 =	vld [tilespmem:s8+$0x4C30];
	[tilespmem:s8+$0x19850] =	vst v5;
	v52 =	vmul.f32 v8, v2  }
0x157: {  	v46 =	vld [tilespmem:s8+$0x4C20];
	v50 =	vmov s11;
	v47 =	vmul.f32 v9, v2;
	[tilespmem:s8+$0x19810] =	vst v4  }
0x158: {  	v3 =	vld [tilespmem:s8+$0x4C10];
	v51 =	vshll.u32 v50, $0x8;
	v49 =	vmul.f32 v10, v2;
	v10 =	vshll.u32 v50, $0x7;
	[tilespmem:s8+$0x19C00] =	vst v52  }
0x159: {  	v6 =	vand.u32 $0x1800, v51;
	v11 =	vmul.f32 v11, v2;
	v53 =	vand.u32 $0x380, v10;
	[tilespmem:s8+$0x19860] =	vst v47  }
0x15a: {  	v12 =	vmul.f32 v12, v2;
	[tilespmem:s8+$0x19870] =	vst v49;
	v6 =	vor.u32 v53, v6  }
0x15b: {  	v9 =	vmul.f32 v48, v2;
	[tilespmem:s8+$0x19840] =	vst v11;
	v54 =	vor.u32 v0, v6  }
0x15c: {  	v7 =	vmul.f32 v46, v2;
	[tilespmem:s8+$0x19830] =	vst v12  }
0x15d: {  	v3 =	vmul.f32 v3, v2;
	[tilespmem:s8+$0x19C30] =	vst v9  }
0x15e: {  	[tilespmem:s8+$0x19C20] =	vst v7  }
0x15f: {  	[tilespmem:s8+$0x19C10] =	vst v3  }
0x160: {  	v3 =	vld.idx.msk [tilespmem:v54+s23+$0x0], $0xffff;
	_ =	sdelay $0x4  }
0x161: {  	v2 =	vmul.f32 v3, v2;
	_ =	sdelay $0x1  }
0x162: {  	[tilespmem:v54+s24+$0x0] =	vst.idx.msk $0xffff, v2  }
0x163: {  	v2 =	vld [tilespmem:s0+$0x4800]  }
0x164: {  	v1 =	vld.idx.msk [tilespmem:v1+s13+$0x0], $0xffff  }
0x165: {  	v3 =	vld [tilespmem:s0+$0x4820]  }
0x166: {  	v4 =	vld [tilespmem:s0+$0x4850]  }
0x167: {  	v9 =	vld [tilespmem:s0+$0x4870]  }
0x168: {  	v56 =	vld [tilespmem:s0+$0x4860]  }
0x169: {  	v57 =	vld [tilespmem:s0+$0x4840];
	v2 =	vmul.f32 v2, v1  }
0x16a: {  	v11 =	vld [tilespmem:s0+$0x4830];
	v3 =	vmul.f32 v3, v1  }
0x16b: {  	v55 =	vld [tilespmem:s0+$0x4C00];
	v4 =	vmul.f32 v4, v1;
	[tilespmem:s0+$0x19800] =	vst v2  }
0x16c: {  	v58 =	vld [tilespmem:s0+$0x4C30];
	v59 =	vmul.f32 v9, v1;
	[tilespmem:s0+$0x19820] =	vst v3  }
0x16d: {  	v7 =	vld [tilespmem:s0+$0x4C10];
	v3 =	vmul.f32 v56, v1;
	[tilespmem:s0+$0x19850] =	vst v4  }
0x16e: {  	v60 =	vmov s5;
	v5 =	vld [tilespmem:s0+$0x4810];
	v10 =	vmul.f32 v57, v1;
	[tilespmem:s0+$0x19870] =	vst v59  }
0x16f: {  	v9 =	vshll.u32 v60, $0x7;
	v11 =	vmul.f32 v11, v1;
	v2 =	vld [tilespmem:s0+$0x4C20];
	[tilespmem:s0+$0x19860] =	vst v3;
	v3 =	vshll.u32 v60, $0x8  }
0x170: {  	v61 =	vmul.f32 v55, v1;
	v62 =	vand.u32 $0x380, v9;
	[tilespmem:s0+$0x19840] =	vst v10;
	v3 =	vand.u32 $0x1800, v3  }
0x171: {  	v8 =	vmul.f32 v58, v1;
	[tilespmem:s0+$0x19830] =	vst v11;
	v3 =	vor.u32 v62, v3  }
0x172: {  	v63 =	vmul.f32 v7, v1;
	[tilespmem:s0+$0x19C00] =	vst v61;
	v3 =	vor.u32 v0, v3  }
0x173: {  	v5 =	vmul.f32 v5, v1;
	[tilespmem:s0+$0x19C30] =	vst v8  }
0x174: {  	[tilespmem:s0+$0x19C10] =	vst v63;
	v2 =	vmul.f32 v2, v1  }
0x175: {  	[tilespmem:s0+$0x19810] =	vst v5  }
0x176: {  	[tilespmem:s0+$0x19C20] =	vst v2  }
0x177: {  	v2 =	vld.idx.msk [tilespmem:v3+s23+$0x0], $0xffff;
	_ =	sdelay $0x1  }
0x178: {  	s30 =	sand.u32 $0xE, s1  }
0x179: {  	s0 =	smul.u32 $0x30000, s30  }
0x17a: {  	s31 =	sor.u32 s4, s31  }
0x17b: {  	s0 =	sadd.s32 s0, s31;
	v1 =	vmul.f32 v2, v1  }
.Ltmp6:
0x17c: {  	s0 =	sshrl.u32 s0, $0x3;
	(pc) =	sbr.rel @p1 .LBB2_12-.Ltmp6, $4  }
0x17d: {  	s0 =	sadd.s32 s6, s0;
	[tilespmem:v3+s24+$0x0] =	vst.idx.msk $0xffff, v1  }
0x17e: {  	[hbm4b:s0+s14] =	stream.strided.scatter [tilespmem:s22], [sflag:$0x5], $0x3000, s15, s14, $0x38;
	[tilespmem:$0x1B000] =	vst v63  }
0x17f: {  	s0 =	sadd.s32 $0x60000, s0  }
0x180: {  	[hbm4b:s0+s14] =	stream.strided.scatter [tilespmem:s22], [sflag:$0x5], $0x3000, s15, s14, $0x38;
	[tilespmem:$0x1B000] =	vst v63  }
0x181: {  	s0 =	smul.u32 $0xC0000, s29  }
.Ltmp7:
0x182: {  	_ = 	snop;
	(pc) =	sbr.rel .LBB2_2-.Ltmp7, $4  }
0x183: {  	s0 =	sadd.s32 s0, s10  }
0x184: {  	s0 =	sshrl.u32 s0, $0x3  }
0x185: {  	s29 =	sadd.s32 $0x1, s29;
	s0 =	sadd.s32 s2, s0  }
0x186: {  	[tilespmem:s16], [sflag:$0x3] =	stream.strided.gather [hbm4b:s0+s14], $0x3000, s15, s14, $0x38;
	[tilespmem:$0x1B000] =	vst v63  }
.LBB2_13:
0x187: {  	_ =	sfence.sel $0x180000  }
0x188: {  	[bflag:$0x0] =	sbarrier.arrive $0xFFFF  }
0x189: {  	_ =	strace $0x90000047  }
0x18a: {  	s0 =	stileid.u32;
	[bflag:$0x2] =	sbarrier.arrive $0xFFFF  }
0x18b: {  	p0 =	sne.s32 s0, $0x0;
	s0 =	rddreg [dreg:$0x2]  }
0x18c: {  	s0 =	sadd.s32 @!p0 $0x100000, s0  }
0x18d: {  	[sflag:s0] =	ssyncadd.tile.s32 @!p0 $0x1;
	_ =	shalt  }
.Lfunc_end2:
_tile_overlayer_lowered:
.L_overlay_start_2:
0x18e: {  	(tag) =	ssettag $0x2  }
0x18f: {  	s0 =	rddreg [dreg:$0x0];
	s2 =	stileid.u32  }
0x190: {  	s1 =	rddreg [dreg:$0x1];
	p0 =	sne.s32 s2, $0x0  }
0x191: {  	s3 =	rddreg [dreg:$0x2];
	[bflag:$0x3] =	sbarrier.arrive $0xFFFF;
	s2 =	simm.s32 @!p0 $0x1C06  }
0x192: {  	[timem:s3], [sflag:s2] =	dma.local @!p0 [hbm:s0], s1  }
0x193: {  	s0 =	simm.s32 @!p0 $0x6  }
0x194: {  	_ =	swait.ge @!p0 [sflag:s0], s1  }
0x195: {  	s1 =	ssub.s32 @!p0 $0x0, s1;
	[sflag:s0] =	ssyncset.done @!p0 $0x0  }
0x196: {  	[sflag:s0] =	ssyncadd.s32 @!p0 s1  }
0x197: {  	[bflag:$0x3] =	sbarrier.arrive $0xFFFF  }
0x198: {  	_ =	shalt  }

</sc_bundles>
